<compile_context>
chip_gen: v7x
topology: tpu7x:2x2x1
jax: 0.10.2.dev20260603
libtpu: 0.0.44.dev20260713+nightly
codegen_flags: <defaults>
</compile_context>

<pallas_src>
import functools

import jax
import jax.numpy as jnp
from jax import lax
from jax.experimental import pallas as pl
from jax.experimental.pallas import tpu as pltpu
import jax.experimental.pallas.tpu_sc as plsc

N_ATOMS = 4096
D_MODEL = 1024
HIDDEN = 1024
B_SYS = 128
N_EXPERTS = 4

TILE = 128
P_PAD = 4608
NB = P_PAD // TILE
N_HALF = 2
P_HALF = P_PAD // N_HALF
NB_HALF = NB // N_HALF
NW = 32
CHUNK = P_HALF // NW



def _sc_gather_half(x, gidx, half):
    mesh = plsc.VectorSubcoreMesh(core_axis_name="c", subcore_axis_name="s")

    @functools.partial(
        pl.kernel,
        out_type=jax.ShapeDtypeStruct((P_HALF, D_MODEL), jnp.float32),
        mesh=mesh,
        scratch_types=[
            pltpu.VMEM((CHUNK,), jnp.int32),
            pltpu.VMEM((CHUNK, D_MODEL), jnp.float32),
            pltpu.SemaphoreType.DMA,
            pltpu.SemaphoreType.DMA,
        ],
    )
    def gather_kernel(x_hbm, gidx_hbm, out_hbm, idx_v, buf, sg, sw):
        wid = lax.axis_index("s") * 2 + lax.axis_index("c")
        base = wid * CHUNK
        pltpu.sync_copy(gidx_hbm.at[pl.ds(half * P_HALF + base, CHUNK)], idx_v)
        pltpu.async_copy(x_hbm.at[idx_v], buf, sg).wait()
        pltpu.async_copy(buf, out_hbm.at[pl.ds(base, CHUNK)], sw).wait()

    return gather_kernel(x, gidx)



def _meta_body(batch_ref, ds_ref, gidx_ref, bcol_ref, te_ref):
    f32 = jnp.float32
    tri_incl = (lax.broadcasted_iota(jnp.int32, (B_SYS, B_SYS), 0) <=
                lax.broadcasted_iota(jnp.int32, (B_SYS, B_SYS), 1)).astype(f32)

    batch_col = batch_ref[...]
    s_row = lax.broadcasted_iota(jnp.int32, (1, B_SYS), 1)
    ohb = (batch_col == s_row).astype(f32)
    c_s = jnp.sum(ohb, axis=0, keepdims=True)
    cum_incl = jnp.dot(c_s, tri_incl, preferred_element_type=f32)
    row_start = cum_incl - c_s

    ds = ds_ref[...]
    e_col = lax.broadcasted_iota(jnp.int32, (8, 1), 0)
    ohd = (ds == e_col).astype(f32)
    counts = jnp.sum(ohd * c_s, axis=1, keepdims=True)
    padded = jnp.ceil(counts / TILE) * TILE
    tri8 = (lax.broadcasted_iota(jnp.int32, (8, 8), 1) <=
            lax.broadcasted_iota(jnp.int32, (8, 8), 0)).astype(f32)
    ends = jnp.dot(tri8, padded, preferred_element_type=f32)
    starts = ends - padded

    ce = ohd * c_s
    csum = jnp.dot(ce, tri_incl, preferred_element_type=f32) - ce
    rank_sum = jnp.sum(csum * ohd, axis=0, keepdims=True)
    sys_base = jnp.sum(starts * ohd, axis=0, keepdims=True) + rank_sum
    sys_end = sys_base + c_s

    p_col = lax.broadcasted_iota(jnp.int32, (P_PAD, 1), 0).astype(f32)
    in_s = ((p_col >= sys_base) & (p_col < sys_end)).astype(f32)
    validf = jnp.sum(in_s, axis=1, keepdims=True)
    s_rowf = s_row.astype(f32)
    bcolf = jnp.sum(in_s * s_rowf, axis=1, keepdims=True)
    bcol_ref[...] = jnp.where(validf > 0, bcolf, float(B_SYS)).astype(jnp.int32)
    delta = row_start - sys_base
    gidx_ref[...] = ((p_col + jnp.sum(in_s * delta, axis=1, keepdims=True))
                     * validf).astype(jnp.int32)

    t_row = lax.broadcasted_iota(jnp.int32, (1, B_SYS), 1).astype(f32) * TILE
    te = jnp.sum((t_row >= ends).astype(f32), axis=0, keepdims=True)
    te_ref[...] = jnp.minimum(te, N_EXPERTS - 1).astype(jnp.int32)


def _routing_metadata(batch_col, ds_row):
    return pl.pallas_call(
        _meta_body,
        out_shape=(
            jax.ShapeDtypeStruct((P_PAD, 1), jnp.int32),
            jax.ShapeDtypeStruct((P_PAD, 1), jnp.int32),
            jax.ShapeDtypeStruct((1, B_SYS), jnp.int32),
        ),
    )(batch_col, ds_row)



def _tc_body(te_ref, xs_ref, w1_ref, b1_ref, w2_ref, b2_ref, bcol_ref, ds_ref,
             out_ref):
    i = pl.program_id(0)

    @pl.when(i == 0)
    def _():
        out_ref[...] = jnp.zeros_like(out_ref)

    x = xs_ref[...]
    h = jnp.dot(x, w1_ref[0], preferred_element_type=jnp.float32)
    h = jax.nn.gelu(h + b1_ref[0])
    e_col = jnp.dot(h, w2_ref[0], preferred_element_type=jnp.float32)
    e_col = e_col + b2_ref[0, 0, 0]

    lane = lax.broadcasted_iota(jnp.int32, (TILE, B_SYS), 1)
    seg = (bcol_ref[...] == lane).astype(jnp.float32)
    partial = jnp.sum(seg * e_col, axis=0, keepdims=True)

    row = lax.broadcasted_iota(jnp.int32, (8, B_SYS), 0)
    dmask = (row == ds_ref[...]).astype(jnp.float32)
    out_ref[...] += dmask * partial


def _tc_moe_half(x_half, tile_expert, W1, b1, W2, b2, bcol, ds_row, half):
    off = half * NB_HALF
    grid_spec = pltpu.PrefetchScalarGridSpec(
        num_scalar_prefetch=1,
        grid=(NB_HALF,),
        in_specs=[
            pl.BlockSpec((TILE, D_MODEL), lambda i, te: (i, 0)),
            pl.BlockSpec((1, D_MODEL, HIDDEN), lambda i, te: (te[off + i], 0, 0)),
            pl.BlockSpec((1, 1, HIDDEN), lambda i, te: (te[off + i], 0, 0)),
            pl.BlockSpec((1, HIDDEN, 1), lambda i, te: (te[off + i], 0, 0)),
            pl.BlockSpec((1, 1, 1), lambda i, te: (te[off + i], 0, 0)),
            pl.BlockSpec((TILE, 1), lambda i, te: (off + i, 0)),
            pl.BlockSpec((1, B_SYS), lambda i, te: (0, 0)),
        ],
        out_specs=pl.BlockSpec((8, B_SYS), lambda i, te: (0, 0)),
    )
    return pl.pallas_call(
        _tc_body,
        grid_spec=grid_spec,
        out_shape=jax.ShapeDtypeStruct((8, B_SYS), jnp.float32),
    )(tile_expert, x_half, W1, b1.reshape(N_EXPERTS, 1, HIDDEN), W2,
      b2.reshape(N_EXPERTS, 1, 1), bcol, ds_row)



def kernel(x, batch, dataset_ids, W1, b1, W2, b2):
    batch32 = batch.astype(jnp.int32)
    ds32 = dataset_ids.astype(jnp.int32)
    ds_row = ds32.reshape(1, B_SYS)

    gidx, bcol, te_row = _routing_metadata(batch32.reshape(N_ATOMS, 1), ds_row)
    gidx_flat = gidx.reshape(P_PAD)
    te = te_row.reshape(B_SYS)

    halves = [_sc_gather_half(x, gidx_flat, h) for h in range(N_HALF)]
    out = None
    for h, x_half in enumerate(halves):
        o = _tc_moe_half(x_half, te, W1, b1, W2, b2, bcol, ds_row, h)
        out = o if out is None else out + o
    return out[:N_EXPERTS]

# --- scband reference (transcript-rebuilt; emitter-appended) ---
"""Pipeline reference for scband-dataset-specific-mo-ewrapper-31860067402064 (READ-ONLY COPY).

The authoritative reference and input builder live on the scoring server;
editing this copy changes nothing except your own understanding.
"""

import jax, jax.numpy as jnp
import numpy as np

N_ATOMS = 4096
D_MODEL = 1024
HIDDEN = 1024
B_SYS = 128
N_EXPERTS = 4  # number of unique dataset heads (omol, omat, oc20, odac)


def setup_inputs(seed: int = 0) -> dict:
    key = jax.random.key(seed)
    ks = jax.random.split(key, 8)
    x = jax.random.normal(ks[0], (N_ATOMS, D_MODEL), dtype=jnp.float32)
    batch = jnp.sort(jax.random.randint(ks[1], (N_ATOMS,), 0, B_SYS)).astype(jnp.int64)
    dataset_ids = jax.random.randint(ks[2], (B_SYS,), 0, N_EXPERTS).astype(jnp.int64)
    # MoLE expert weights (recursive_replace_all_linear turns each head Linear into
    # a mixture-of-linear-experts layer with one weight bank per dataset expert)
    W1 = jax.random.normal(ks[3], (N_EXPERTS, D_MODEL, HIDDEN), dtype=jnp.float32) * 0.02
    b1 = jnp.zeros((N_EXPERTS, HIDDEN), dtype=jnp.float32)
    W2 = jax.random.normal(ks[4], (N_EXPERTS, HIDDEN, 1), dtype=jnp.float32) * 0.02
    b2 = jnp.zeros((N_EXPERTS, 1), dtype=jnp.float32)
    return {"x": x, "batch": batch, "dataset_ids": dataset_ids,
            "W1": W1, "b1": b1, "W2": W2, "b2": b2}


def _mole_linear(h, coeff, W, b):
    # per-atom mixture of expert linears: y_n = sum_e coeff[n,e] * (h_n @ W_e + b_e)
    y = jnp.einsum('nd,edo->neo', h, W)
    y = jnp.einsum('ne,neo->no', coeff, y)
    y = y + coeff @ b
    return y


def reference(x, batch, dataset_ids, W1, b1, W2, b2):
    # mole_sizes: atoms per system (scatter-add bookkeeping from the wrapper)
    mole_sizes = jax.ops.segment_sum(jnp.ones((N_ATOMS,), dtype=jnp.int32), batch,
                                     num_segments=B_SYS)
    # expert_mixing_coefficients: one-hot per system, gathered to per-atom
    coeff_sys = jax.nn.one_hot(dataset_ids, N_EXPERTS, dtype=x.dtype)
    coeff = coeff_sys[batch]
    # head forward with MoLE linears
    h = jax.nn.gelu(_mole_linear(x, coeff, W1, b1))
    e_atom = _mole_linear(h, coeff, W2, b2)[:, 0]
    energy = jax.ops.segment_sum(e_atom, batch, num_segments=B_SYS)
    # per-dataset masking of head output (zero outside each dataset's systems)
    outs = []
    for d in range(N_EXPERTS):
        dataset_mask = (dataset_ids == d)
        outs.append(jnp.where(dataset_mask, energy, jnp.zeros_like(energy)))
    full_output = jnp.stack(outs, axis=0)  # [num_datasets, B_SYS]
    return full_output

if __name__ == "__main__":
    import jax
    _d = setup_inputs()
    print(jax.jit(kernel)(*tuple(_d.values())))

</pallas_src>

<mosaic_0001>
#map = affine_map<(d0, d1) -> (0, 0)>
#map1 = affine_map<(d0, d1) -> (0)>
module attributes {stable_mosaic.version = 14 : i64} {
  func.func @gather_kernel(%arg0: i32, %arg1: i32, %arg2: memref<4096x1024xf32, #tpu.memory_space<hbm>>, %arg3: memref<4608xi32, #tpu.memory_space<hbm>>, %arg4: memref<2304x1024xf32, #tpu.memory_space<hbm>>, %arg5: memref<72xi32, #tpu.memory_space<vmem>>, %arg6: memref<72x1024xf32, #tpu.memory_space<vmem>>, %arg7: memref<!tpu.dma_semaphore, #tpu.memory_space<semaphore_mem>>, %arg8: memref<!tpu.dma_semaphore, #tpu.memory_space<semaphore_mem>>) attributes {dimension_semantics = [#tpu.dimension_semantics<core_parallel>, #tpu.dimension_semantics<subcore_parallel>], iteration_bounds = array<i64: 2, 16>, scalar_prefetch = 0 : i64, scratch_operands = 4 : i64, tpu.core_type = #tpu.core_type<sc_vector_subcore>, window_params = [{transform_indices = #map}, {transform_indices = #map1}, {transform_indices = #map}]} {
    %mul3A = arith.constant 2 : i32
    %mul3A_0 = arith.muli %arg1, %mul3A : i32
    %add3A = arith.addi %mul3A_0, %arg0 : i32
    %mul3A_1 = arith.constant 72 : i32
    %mul3A_2 = arith.muli %add3A, %mul3A_1 : i32
    %add3A_3 = arith.constant 2304 : i32
    %add3A_4 = arith.addi %add3A_3, %mul3A_2 : i32
    "tpu.region"() ({
      %run_scoped3A = tpu.sem_alloc : memref<!tpu.dma_semaphore, #tpu.memory_space<semaphore_mem>>
      %dma_start3A_17 = tpu.memref_slice %arg3[%add3A_4] : memref<4608xi32, #tpu.memory_space<hbm>> -> memref<72xi32, #tpu.memory_space<hbm>>
      %dma_start3A_18 = tpu.memref_slice %arg3[%add3A_4] : memref<4608xi32, #tpu.memory_space<hbm>> -> memref<72xi32, #tpu.memory_space<hbm>>
      tpu.enqueue_dma source(%dma_start3A_18 : memref<72xi32, #tpu.memory_space<hbm>>) target(%arg5 : memref<72xi32, #tpu.memory_space<vmem>>) target_semaphore(%run_scoped3A : memref<!tpu.dma_semaphore, #tpu.memory_space<semaphore_mem>>)
      %dma_wait3A_19 = tpu.memref_slice %arg3[%add3A_4] : memref<4608xi32, #tpu.memory_space<hbm>> -> memref<72xi32, #tpu.memory_space<hbm>>
      %dma_wait3A_20 = tpu.memref_slice %arg3[%add3A_4] : memref<4608xi32, #tpu.memory_space<hbm>> -> memref<72xi32, #tpu.memory_space<hbm>>
      tpu.wait_dma2 semaphore(%run_scoped3A : memref<!tpu.dma_semaphore, #tpu.memory_space<semaphore_mem>>) src(%dma_wait3A_20 : memref<72xi32, #tpu.memory_space<hbm>>) dst(%arg5 : memref<72xi32, #tpu.memory_space<vmem>>)
      tpu.yield
    }) : () -> ()
    %dma_start3A = arith.constant 0 : i32
    %dma_start3A_5 = arith.constant 0 : i32
    %dma_start3A_6 = tpu.memref_slice %arg2[%dma_start3A, %dma_start3A_5] : memref<4096x1024xf32, #tpu.memory_space<hbm>> -> memref<4096x1024xf32, #tpu.memory_space<hbm>>
    tpu.enqueue_indirect_dma source(%dma_start3A_6 : memref<4096x1024xf32, #tpu.memory_space<hbm>>) target(%arg6 : memref<72x1024xf32, #tpu.memory_space<vmem>>) offsets(%arg5 : memref<72xi32, #tpu.memory_space<vmem>>) semaphore(%arg7 : memref<!tpu.dma_semaphore, #tpu.memory_space<semaphore_mem>>)
    %dma_wait3A = arith.constant 0 : i32
    %dma_wait3A_7 = arith.constant 0 : i32
    %dma_wait3A_8 = tpu.memref_slice %arg2[%dma_wait3A, %dma_wait3A_7] : memref<4096x1024xf32, #tpu.memory_space<hbm>> -> memref<4096x1024xf32, #tpu.memory_space<hbm>>
    tpu.wait_indirect_dma semaphore(%arg7 : memref<!tpu.dma_semaphore, #tpu.memory_space<semaphore_mem>>) src(%dma_wait3A_8 : memref<4096x1024xf32, #tpu.memory_space<hbm>>) dst(%arg6 : memref<72x1024xf32, #tpu.memory_space<vmem>>)
    %dma_start3A_9 = arith.constant 0 : i32
    %dma_start3A_10 = tpu.memref_slice %arg4[%mul3A_2, %dma_start3A_9] : memref<2304x1024xf32, #tpu.memory_space<hbm>> -> memref<72x1024xf32, #tpu.memory_space<hbm>>
    %dma_start3A_11 = arith.constant 0 : i32
    %dma_start3A_12 = tpu.memref_slice %arg4[%mul3A_2, %dma_start3A_11] : memref<2304x1024xf32, #tpu.memory_space<hbm>> -> memref<72x1024xf32, #tpu.memory_space<hbm>>
    tpu.enqueue_dma source(%arg6 : memref<72x1024xf32, #tpu.memory_space<vmem>>) target(%dma_start3A_12 : memref<72x1024xf32, #tpu.memory_space<hbm>>) target_semaphore(%arg8 : memref<!tpu.dma_semaphore, #tpu.memory_space<semaphore_mem>>)
    %dma_wait3A_13 = arith.constant 0 : i32
    %dma_wait3A_14 = tpu.memref_slice %arg4[%mul3A_2, %dma_wait3A_13] : memref<2304x1024xf32, #tpu.memory_space<hbm>> -> memref<72x1024xf32, #tpu.memory_space<hbm>>
    %dma_wait3A_15 = arith.constant 0 : i32
    %dma_wait3A_16 = tpu.memref_slice %arg4[%mul3A_2, %dma_wait3A_15] : memref<2304x1024xf32, #tpu.memory_space<hbm>> -> memref<72x1024xf32, #tpu.memory_space<hbm>>
    tpu.wait_dma2 semaphore(%arg8 : memref<!tpu.dma_semaphore, #tpu.memory_space<semaphore_mem>>) src(%arg6 : memref<72x1024xf32, #tpu.memory_space<vmem>>) dst(%dma_wait3A_16 : memref<72x1024xf32, #tpu.memory_space<hbm>>)
    return
  }
}

#map = affine_map<(d0, d1) -> (0, 0)>
#map1 = affine_map<(d0, d1) -> (0)>
module attributes {stable_mosaic.version = 14 : i64} {
  func.func @gather_kernel(%arg0: i32, %arg1: i32, %arg2: memref<4096x1024xf32, #tpu.memory_space<hbm>>, %arg3: memref<4608xi32, #tpu.memory_space<hbm>>, %arg4: memref<2304x1024xf32, #tpu.memory_space<hbm>>, %arg5: memref<72xi32, #tpu.memory_space<vmem>>, %arg6: memref<72x1024xf32, #tpu.memory_space<vmem>>, %arg7: memref<!tpu.dma_semaphore, #tpu.memory_space<semaphore_mem>>, %arg8: memref<!tpu.dma_semaphore, #tpu.memory_space<semaphore_mem>>) attributes {dimension_semantics = [#tpu.dimension_semantics<core_parallel>, #tpu.dimension_semantics<subcore_parallel>], iteration_bounds = array<i64: 2, 16>, scalar_prefetch = 0 : i64, scratch_operands = 4 : i64, tpu.core_type = #tpu.core_type<sc_vector_subcore>, window_params = [{transform_indices = #map}, {transform_indices = #map1}, {transform_indices = #map}]} {
    %mul3A = arith.constant 2 : i32
    %mul3A_0 = arith.muli %arg1, %mul3A : i32
    %add3A = arith.addi %mul3A_0, %arg0 : i32
    %mul3A_1 = arith.constant 72 : i32
    %mul3A_2 = arith.muli %add3A, %mul3A_1 : i32
    %add3A_3 = arith.constant 0 : i32
    %add3A_4 = arith.addi %add3A_3, %mul3A_2 : i32
    "tpu.region"() ({
      %run_scoped3A = tpu.sem_alloc : memref<!tpu.dma_semaphore, #tpu.memory_space<semaphore_mem>>
      %dma_start3A_17 = tpu.memref_slice %arg3[%add3A_4] : memref<4608xi32, #tpu.memory_space<hbm>> -> memref<72xi32, #tpu.memory_space<hbm>>
      %dma_start3A_18 = tpu.memref_slice %arg3[%add3A_4] : memref<4608xi32, #tpu.memory_space<hbm>> -> memref<72xi32, #tpu.memory_space<hbm>>
      tpu.enqueue_dma source(%dma_start3A_18 : memref<72xi32, #tpu.memory_space<hbm>>) target(%arg5 : memref<72xi32, #tpu.memory_space<vmem>>) target_semaphore(%run_scoped3A : memref<!tpu.dma_semaphore, #tpu.memory_space<semaphore_mem>>)
      %dma_wait3A_19 = tpu.memref_slice %arg3[%add3A_4] : memref<4608xi32, #tpu.memory_space<hbm>> -> memref<72xi32, #tpu.memory_space<hbm>>
      %dma_wait3A_20 = tpu.memref_slice %arg3[%add3A_4] : memref<4608xi32, #tpu.memory_space<hbm>> -> memref<72xi32, #tpu.memory_space<hbm>>
      tpu.wait_dma2 semaphore(%run_scoped3A : memref<!tpu.dma_semaphore, #tpu.memory_space<semaphore_mem>>) src(%dma_wait3A_20 : memref<72xi32, #tpu.memory_space<hbm>>) dst(%arg5 : memref<72xi32, #tpu.memory_space<vmem>>)
      tpu.yield
    }) : () -> ()
    %dma_start3A = arith.constant 0 : i32
    %dma_start3A_5 = arith.constant 0 : i32
    %dma_start3A_6 = tpu.memref_slice %arg2[%dma_start3A, %dma_start3A_5] : memref<4096x1024xf32, #tpu.memory_space<hbm>> -> memref<4096x1024xf32, #tpu.memory_space<hbm>>
    tpu.enqueue_indirect_dma source(%dma_start3A_6 : memref<4096x1024xf32, #tpu.memory_space<hbm>>) target(%arg6 : memref<72x1024xf32, #tpu.memory_space<vmem>>) offsets(%arg5 : memref<72xi32, #tpu.memory_space<vmem>>) semaphore(%arg7 : memref<!tpu.dma_semaphore, #tpu.memory_space<semaphore_mem>>)
    %dma_wait3A = arith.constant 0 : i32
    %dma_wait3A_7 = arith.constant 0 : i32
    %dma_wait3A_8 = tpu.memref_slice %arg2[%dma_wait3A, %dma_wait3A_7] : memref<4096x1024xf32, #tpu.memory_space<hbm>> -> memref<4096x1024xf32, #tpu.memory_space<hbm>>
    tpu.wait_indirect_dma semaphore(%arg7 : memref<!tpu.dma_semaphore, #tpu.memory_space<semaphore_mem>>) src(%dma_wait3A_8 : memref<4096x1024xf32, #tpu.memory_space<hbm>>) dst(%arg6 : memref<72x1024xf32, #tpu.memory_space<vmem>>)
    %dma_start3A_9 = arith.constant 0 : i32
    %dma_start3A_10 = tpu.memref_slice %arg4[%mul3A_2, %dma_start3A_9] : memref<2304x1024xf32, #tpu.memory_space<hbm>> -> memref<72x1024xf32, #tpu.memory_space<hbm>>
    %dma_start3A_11 = arith.constant 0 : i32
    %dma_start3A_12 = tpu.memref_slice %arg4[%mul3A_2, %dma_start3A_11] : memref<2304x1024xf32, #tpu.memory_space<hbm>> -> memref<72x1024xf32, #tpu.memory_space<hbm>>
    tpu.enqueue_dma source(%arg6 : memref<72x1024xf32, #tpu.memory_space<vmem>>) target(%dma_start3A_12 : memref<72x1024xf32, #tpu.memory_space<hbm>>) target_semaphore(%arg8 : memref<!tpu.dma_semaphore, #tpu.memory_space<semaphore_mem>>)
    %dma_wait3A_13 = arith.constant 0 : i32
    %dma_wait3A_14 = tpu.memref_slice %arg4[%mul3A_2, %dma_wait3A_13] : memref<2304x1024xf32, #tpu.memory_space<hbm>> -> memref<72x1024xf32, #tpu.memory_space<hbm>>
    %dma_wait3A_15 = arith.constant 0 : i32
    %dma_wait3A_16 = tpu.memref_slice %arg4[%mul3A_2, %dma_wait3A_15] : memref<2304x1024xf32, #tpu.memory_space<hbm>> -> memref<72x1024xf32, #tpu.memory_space<hbm>>
    tpu.wait_dma2 semaphore(%arg8 : memref<!tpu.dma_semaphore, #tpu.memory_space<semaphore_mem>>) src(%arg6 : memref<72x1024xf32, #tpu.memory_space<vmem>>) dst(%dma_wait3A_16 : memref<72x1024xf32, #tpu.memory_space<hbm>>)
    return
  }
}

module attributes {stable_mosaic.version = 14 : i64} {
  func.func @_meta_body(%arg0: memref<4096x1xi32, #tpu.memory_space<vmem>>, %arg1: memref<1x128xi32, #tpu.memory_space<vmem>>, %arg2: memref<4608x1xi32, #tpu.memory_space<vmem>>, %arg3: memref<4608x1xi32, #tpu.memory_space<vmem>>, %arg4: memref<1x128xi32, #tpu.memory_space<vmem>>) attributes {dimension_semantics = [], scalar_prefetch = 0 : i64, scratch_operands = 0 : i64, tpu.core_type = #tpu.core_type<tc>} {
    %iota3A = tpu.iota {dimensions = array<i32: 0>} : vector<128x128xi32>
    %iota3A_0 = tpu.iota {dimensions = array<i32: 1>} : vector<128x128xi32>
    %le3A = arith.cmpi sle, %iota3A, %iota3A_0 : vector<128x128xi32>
    %convert_element_type3A = arith.extui %le3A : vector<128x128xi1> to vector<128x128xi32>
    %convert_element_type3A_1 = arith.sitofp %convert_element_type3A : vector<128x128xi32> to vector<128x128xf32>
    %get3A = arith.constant 0 : index
    %get3A_2 = arith.constant 0 : index
    %get3A_3 = vector.load %arg0[%get3A, %get3A_2] : memref<4096x1xi32, #tpu.memory_space<vmem>>, vector<4096x1xi32>
    %iota3A_4 = tpu.iota {dimensions = array<i32: 1>} : vector<1x128xi32>
    %eq3A = vector.broadcast %get3A_3 : vector<4096x1xi32> to vector<4096x128xi32>
    %eq3A_5 = vector.broadcast %iota3A_4 : vector<1x128xi32> to vector<4096x128xi32>
    %eq3A_6 = arith.cmpi eq, %eq3A, %eq3A_5 : vector<4096x128xi32>
    %convert_element_type3A_7 = arith.extui %eq3A_6 : vector<4096x128xi1> to vector<4096x128xi32>
    %convert_element_type3A_8 = arith.sitofp %convert_element_type3A_7 : vector<4096x128xi32> to vector<4096x128xf32>
    %reduce_sum3A = arith.constant dense<0.000000e+00> : vector<128xf32>
    %reduce_sum3A_9 = vector.multi_reduction <add>, %convert_element_type3A_8, %reduce_sum3A [0] : vector<4096x128xf32> to vector<128xf32>
    %broadcast_in_dim3A = vector.shape_cast %reduce_sum3A_9 : vector<128xf32> to vector<1x128xf32>
    %dot_general3A = arith.constant dense<0.000000e+00> : vector<1x128xf32>
    %dot_general3A_10 = tpu.matmul %broadcast_in_dim3A, %convert_element_type3A_1, %dot_general3A {dimension_numbers = #tpu.dot_dimension_numbers<[1], [0], [0], [1], [0, 0, 1, 1], [], []>, transpose_lhs_hint = false} : vector<1x128xf32>, vector<128x128xf32>, vector<1x128xf32> -> vector<1x128xf32>
    %sub3A = arith.subf %dot_general3A_10, %broadcast_in_dim3A : vector<1x128xf32>
    %get3A_11 = arith.constant 0 : index
    %get3A_12 = arith.constant 0 : index
    %get3A_13 = vector.load %arg1[%get3A_11, %get3A_12] : memref<1x128xi32, #tpu.memory_space<vmem>>, vector<1x128xi32>
    %iota3A_14 = tpu.iota {dimensions = array<i32: 0>} : vector<8x1xi32>
    %eq3A_15 = vector.broadcast %get3A_13 : vector<1x128xi32> to vector<8x128xi32>
    %eq3A_16 = vector.broadcast %iota3A_14 : vector<8x1xi32> to vector<8x128xi32>
    %eq3A_17 = arith.cmpi eq, %eq3A_15, %eq3A_16 : vector<8x128xi32>
    %convert_element_type3A_18 = arith.extui %eq3A_17 : vector<8x128xi1> to vector<8x128xi32>
    %convert_element_type3A_19 = arith.sitofp %convert_element_type3A_18 : vector<8x128xi32> to vector<8x128xf32>
    %mul3A = vector.broadcast %broadcast_in_dim3A : vector<1x128xf32> to vector<8x128xf32>
    %mul3A_20 = arith.mulf %convert_element_type3A_19, %mul3A : vector<8x128xf32>
    %reduce_sum3A_21 = arith.constant dense<0.000000e+00> : vector<8xf32>
    %reduce_sum3A_22 = vector.multi_reduction <add>, %mul3A_20, %reduce_sum3A_21 [1] : vector<8x128xf32> to vector<8xf32>
    %broadcast_in_dim3A_23 = vector.shape_cast %reduce_sum3A_22 : vector<8xf32> to vector<8x1xf32>
    %div3A = arith.constant 1.280000e+02 : f32
    %div3A_24 = vector.broadcast %div3A : f32 to vector<8x1xf32>
    %div3A_25 = arith.divf %broadcast_in_dim3A_23, %div3A_24 : vector<8x1xf32>
    %ceil3A = math.ceil %div3A_25 : vector<8x1xf32>
    %mul3A_26 = arith.constant 1.280000e+02 : f32
    %mul3A_27 = vector.broadcast %mul3A_26 : f32 to vector<8x1xf32>
    %mul3A_28 = arith.mulf %ceil3A, %mul3A_27 : vector<8x1xf32>
    %iota3A_29 = tpu.iota {dimensions = array<i32: 1>} : vector<8x8xi32>
    %iota3A_30 = tpu.iota {dimensions = array<i32: 0>} : vector<8x8xi32>
    %le3A_31 = arith.cmpi sle, %iota3A_29, %iota3A_30 : vector<8x8xi32>
    %convert_element_type3A_32 = arith.extui %le3A_31 : vector<8x8xi1> to vector<8x8xi32>
    %convert_element_type3A_33 = arith.sitofp %convert_element_type3A_32 : vector<8x8xi32> to vector<8x8xf32>
    %dot_general3A_34 = arith.constant dense<0.000000e+00> : vector<8x1xf32>
    %dot_general3A_35 = tpu.matmul %convert_element_type3A_33, %mul3A_28, %dot_general3A_34 {dimension_numbers = #tpu.dot_dimension_numbers<[1], [0], [0], [1], [0, 0, 1, 1], [], []>, transpose_lhs_hint = false} : vector<8x8xf32>, vector<8x1xf32>, vector<8x1xf32> -> vector<8x1xf32>
    %sub3A_36 = arith.subf %dot_general3A_35, %mul3A_28 : vector<8x1xf32>
    %mul3A_37 = vector.broadcast %broadcast_in_dim3A : vector<1x128xf32> to vector<8x128xf32>
    %mul3A_38 = arith.mulf %convert_element_type3A_19, %mul3A_37 : vector<8x128xf32>
    %dot_general3A_39 = arith.constant dense<0.000000e+00> : vector<8x128xf32>
    %dot_general3A_40 = tpu.matmul %mul3A_38, %convert_element_type3A_1, %dot_general3A_39 {dimension_numbers = #tpu.dot_dimension_numbers<[1], [0], [0], [1], [0, 0, 1, 1], [], []>, transpose_lhs_hint = false} : vector<8x128xf32>, vector<128x128xf32>, vector<8x128xf32> -> vector<8x128xf32>
    %sub3A_41 = arith.subf %dot_general3A_40, %mul3A_38 : vector<8x128xf32>
    %mul3A_42 = arith.mulf %sub3A_41, %convert_element_type3A_19 : vector<8x128xf32>
    %reduce_sum3A_43 = arith.constant dense<0.000000e+00> : vector<128xf32>
    %reduce_sum3A_44 = vector.multi_reduction <add>, %mul3A_42, %reduce_sum3A_43 [0] : vector<8x128xf32> to vector<128xf32>
    %broadcast_in_dim3A_45 = vector.shape_cast %reduce_sum3A_44 : vector<128xf32> to vector<1x128xf32>
    %mul3A_46 = vector.broadcast %sub3A_36 : vector<8x1xf32> to vector<8x128xf32>
    %mul3A_47 = arith.mulf %mul3A_46, %convert_element_type3A_19 : vector<8x128xf32>
    %reduce_sum3A_48 = arith.constant dense<0.000000e+00> : vector<128xf32>
    %reduce_sum3A_49 = vector.multi_reduction <add>, %mul3A_47, %reduce_sum3A_48 [0] : vector<8x128xf32> to vector<128xf32>
    %broadcast_in_dim3A_50 = vector.shape_cast %reduce_sum3A_49 : vector<128xf32> to vector<1x128xf32>
    %add3A = arith.addf %broadcast_in_dim3A_50, %broadcast_in_dim3A_45 : vector<1x128xf32>
    %add3A_51 = arith.addf %add3A, %broadcast_in_dim3A : vector<1x128xf32>
    %iota3A_52 = tpu.iota {dimensions = array<i32: 0>} : vector<4608x1xi32>
    %convert_element_type3A_53 = arith.sitofp %iota3A_52 : vector<4608x1xi32> to vector<4608x1xf32>
    %ge3A = vector.broadcast %convert_element_type3A_53 : vector<4608x1xf32> to vector<4608x128xf32>
    %ge3A_54 = vector.broadcast %add3A : vector<1x128xf32> to vector<4608x128xf32>
    %ge3A_55 = arith.cmpf oge, %ge3A, %ge3A_54 : vector<4608x128xf32>
    %lt3A = vector.broadcast %convert_element_type3A_53 : vector<4608x1xf32> to vector<4608x128xf32>
    %lt3A_56 = vector.broadcast %add3A_51 : vector<1x128xf32> to vector<4608x128xf32>
    %lt3A_57 = arith.cmpf olt, %lt3A, %lt3A_56 : vector<4608x128xf32>
    %and3A = arith.andi %ge3A_55, %lt3A_57 : vector<4608x128xi1>
    %convert_element_type3A_58 = arith.extui %and3A : vector<4608x128xi1> to vector<4608x128xi32>
    %convert_element_type3A_59 = arith.sitofp %convert_element_type3A_58 : vector<4608x128xi32> to vector<4608x128xf32>
    %reduce_sum3A_60 = arith.constant dense<0.000000e+00> : vector<4608xf32>
    %reduce_sum3A_61 = vector.multi_reduction <add>, %convert_element_type3A_59, %reduce_sum3A_60 [1] : vector<4608x128xf32> to vector<4608xf32>
    %broadcast_in_dim3A_62 = vector.shape_cast %reduce_sum3A_61 : vector<4608xf32> to vector<4608x1xf32>
    %convert_element_type3A_63 = arith.sitofp %iota3A_4 : vector<1x128xi32> to vector<1x128xf32>
    %mul3A_64 = vector.broadcast %convert_element_type3A_63 : vector<1x128xf32> to vector<4608x128xf32>
    %mul3A_65 = arith.mulf %convert_element_type3A_59, %mul3A_64 : vector<4608x128xf32>
    %reduce_sum3A_66 = arith.constant dense<0.000000e+00> : vector<4608xf32>
    %reduce_sum3A_67 = vector.multi_reduction <add>, %mul3A_65, %reduce_sum3A_66 [1] : vector<4608x128xf32> to vector<4608xf32>
    %broadcast_in_dim3A_68 = vector.shape_cast %reduce_sum3A_67 : vector<4608xf32> to vector<4608x1xf32>
    %gt3A = arith.constant 0.000000e+00 : f32
    %gt3A_69 = vector.broadcast %gt3A : f32 to vector<4608x1xf32>
    %gt3A_70 = arith.cmpf ogt, %broadcast_in_dim3A_62, %gt3A_69 : vector<4608x1xf32>
    %jit3A = arith.constant 1.280000e+02 : f32
    %broadcast_in_dim3A_71 = vector.broadcast %jit3A : f32 to vector<4608x1xf32>
    %select_n3A = arith.select %gt3A_70, %broadcast_in_dim3A_68, %broadcast_in_dim3A_71 : vector<4608x1xi1>, vector<4608x1xf32>
    %convert_element_type3A_72 = arith.fptosi %select_n3A : vector<4608x1xf32> to vector<4608x1xi32>
    %swap3A = arith.constant 0 : index
    %swap3A_73 = arith.constant 0 : index
    %swap3A_74 = vector.load %arg3[%swap3A, %swap3A_73] : memref<4608x1xi32, #tpu.memory_space<vmem>>, vector<4608x1xi32>
    tpu.vector_store %arg3[%swap3A, %swap3A_73], %convert_element_type3A_72 {strides = array<i32>} : memref<4608x1xi32, #tpu.memory_space<vmem>>, vector<4608x1xi32>,
    %sub3A_75 = arith.subf %sub3A, %add3A : vector<1x128xf32>
    %mul3A_76 = vector.broadcast %sub3A_75 : vector<1x128xf32> to vector<4608x128xf32>
    %mul3A_77 = arith.mulf %convert_element_type3A_59, %mul3A_76 : vector<4608x128xf32>
    %reduce_sum3A_78 = arith.constant dense<0.000000e+00> : vector<4608xf32>
    %reduce_sum3A_79 = vector.multi_reduction <add>, %mul3A_77, %reduce_sum3A_78 [1] : vector<4608x128xf32> to vector<4608xf32>
    %broadcast_in_dim3A_80 = vector.shape_cast %reduce_sum3A_79 : vector<4608xf32> to vector<4608x1xf32>
    %add3A_81 = arith.addf %convert_element_type3A_53, %broadcast_in_dim3A_80 : vector<4608x1xf32>
    %mul3A_82 = arith.mulf %add3A_81, %broadcast_in_dim3A_62 : vector<4608x1xf32>
    %convert_element_type3A_83 = arith.fptosi %mul3A_82 : vector<4608x1xf32> to vector<4608x1xi32>
    %swap3A_84 = arith.constant 0 : index
    %swap3A_85 = arith.constant 0 : index
    %swap3A_86 = vector.load %arg2[%swap3A_84, %swap3A_85] : memref<4608x1xi32, #tpu.memory_space<vmem>>, vector<4608x1xi32>
    tpu.vector_store %arg2[%swap3A_84, %swap3A_85], %convert_element_type3A_83 {strides = array<i32>} : memref<4608x1xi32, #tpu.memory_space<vmem>>, vector<4608x1xi32>,
    %iota3A_87 = tpu.iota {dimensions = array<i32: 1>} : vector<1x128xi32>
    %convert_element_type3A_88 = arith.sitofp %iota3A_87 : vector<1x128xi32> to vector<1x128xf32>
    %mul3A_89 = arith.constant 1.280000e+02 : f32
    %mul3A_90 = vector.broadcast %mul3A_89 : f32 to vector<1x128xf32>
    %mul3A_91 = arith.mulf %convert_element_type3A_88, %mul3A_90 : vector<1x128xf32>
    %ge3A_92 = vector.broadcast %mul3A_91 : vector<1x128xf32> to vector<8x128xf32>
    %ge3A_93 = vector.broadcast %dot_general3A_35 : vector<8x1xf32> to vector<8x128xf32>
    %ge3A_94 = arith.cmpf oge, %ge3A_92, %ge3A_93 : vector<8x128xf32>
    %convert_element_type3A_95 = arith.extui %ge3A_94 : vector<8x128xi1> to vector<8x128xi32>
    %convert_element_type3A_96 = arith.sitofp %convert_element_type3A_95 : vector<8x128xi32> to vector<8x128xf32>
    %reduce_sum3A_97 = arith.constant dense<0.000000e+00> : vector<128xf32>
    %reduce_sum3A_98 = vector.multi_reduction <add>, %convert_element_type3A_96, %reduce_sum3A_97 [0] : vector<8x128xf32> to vector<128xf32>
    %broadcast_in_dim3A_99 = vector.shape_cast %reduce_sum3A_98 : vector<128xf32> to vector<1x128xf32>
    %min3A = arith.constant 3.000000e+00 : f32
    %min3A_100 = vector.broadcast %min3A : f32 to vector<1x128xf32>
    %min3A_101 = arith.minimumf %broadcast_in_dim3A_99, %min3A_100 : vector<1x128xf32>
    %convert_element_type3A_102 = arith.fptosi %min3A_101 : vector<1x128xf32> to vector<1x128xi32>
    %swap3A_103 = arith.constant 0 : index
    %swap3A_104 = arith.constant 0 : index
    %swap3A_105 = vector.load %arg4[%swap3A_103, %swap3A_104] : memref<1x128xi32, #tpu.memory_space<vmem>>, vector<1x128xi32>
    tpu.vector_store %arg4[%swap3A_103, %swap3A_104], %convert_element_type3A_102 {strides = array<i32>} : memref<1x128xi32, #tpu.memory_space<vmem>>, vector<1x128xi32>,
    return
  }
}

module attributes {stable_mosaic.version = 14 : i64} {
  func.func @_tc_body(%arg0: i32, %arg1: memref<128xi32, #tpu.memory_space<smem>>, %arg2: memref<128x1024xf32, #tpu.memory_space<vmem>>, %arg3: memref<1x1024x1024xf32, #tpu.memory_space<vmem>>, %arg4: memref<1x1x1024xf32, #tpu.memory_space<vmem>>, %arg5: memref<1x1024x1xf32, #tpu.memory_space<vmem>>, %arg6: memref<1x1x1xf32, #tpu.memory_space<vmem>>, %arg7: memref<128x1xi32, #tpu.memory_space<vmem>>, %arg8: memref<1x128xi32, #tpu.memory_space<vmem>>, %arg9: memref<8x128xf32, #tpu.memory_space<vmem>>) attributes {dimension_semantics = [#tpu.dimension_semantics<arbitrary>], iteration_bounds = array<i64: 18>, scalar_prefetch = 1 : i64, scratch_operands = 0 : i64, tpu.core_type = #tpu.core_type<tc>, window_params = [{transform_indices = @transform_0, window_bounds = array<i64: 128, 1024>}, {transform_indices = @transform_1, window_bounds = array<i64: 1, 1024, 1024>}, {transform_indices = @transform_2, window_bounds = array<i64: 1, 1, 1024>}, {transform_indices = @transform_3, window_bounds = array<i64: 1, 1024, 1>}, {transform_indices = @transform_4, window_bounds = array<i64: 1, 1, 1>}, {transform_indices = @transform_5, window_bounds = array<i64: 128, 1>}, {pipeline_mode = #tpu.pipeline_mode<synchronous>, transform_indices = @transform_6, window_bounds = array<i64: 1, 128>}, {pipeline_mode = #tpu.pipeline_mode<synchronous>, transform_indices = @transform_7, window_bounds = array<i64: 8, 128>}]} {
    %eq3A = arith.constant 0 : i32
    %eq3A_0 = arith.cmpi eq, %arg0, %eq3A : i32
    %convert_element_type3A = arith.extui %eq3A_0 : i1 to i32
    %cond3A = arith.constant 0 : i32
    %cond3A_1 = arith.cmpi ne, %convert_element_type3A, %cond3A : i32
    scf.if %cond3A_1 {
      %broadcast_in_dim3A_70 = arith.constant 0.000000e+00 : f32
      %broadcast_in_dim3A_71 = vector.broadcast %broadcast_in_dim3A_70 : f32 to vector<8x128xf32>
      %swap3A_72 = arith.constant 0 : index
      %swap3A_73 = arith.constant 0 : index
      %swap3A_74 = vector.load %arg9[%swap3A_72, %swap3A_73] : memref<8x128xf32, #tpu.memory_space<vmem>>, vector<8x128xf32>
      tpu.vector_store %arg9[%swap3A_72, %swap3A_73], %broadcast_in_dim3A_71 {strides = array<i32>} : memref<8x128xf32, #tpu.memory_space<vmem>>, vector<8x128xf32>,
    } else {
    }
    %get3A = arith.constant 0 : index
    %get3A_2 = arith.constant 0 : index
    %get3A_3 = vector.load %arg2[%get3A, %get3A_2] : memref<128x1024xf32, #tpu.memory_space<vmem>>, vector<128x1024xf32>
    %get3A_4 = arith.constant 0 : index
    %get3A_5 = arith.constant 0 : index
    %get3A_6 = arith.constant 0 : index
    %get3A_7 = vector.load %arg3[%get3A_4, %get3A_5, %get3A_6] : memref<1x1024x1024xf32, #tpu.memory_space<vmem>>, vector<1x1024x1024xf32>
    %get3A_8 = vector.shape_cast %get3A_7 : vector<1x1024x1024xf32> to vector<1024x1024xf32>
    %dot_general3A = arith.constant dense<0.000000e+00> : vector<128x1024xf32>
    %dot_general3A_9 = tpu.matmul %get3A_3, %get3A_8, %dot_general3A {dimension_numbers = #tpu.dot_dimension_numbers<[1], [0], [0], [1], [0, 0, 1, 1], [], []>, transpose_lhs_hint = false} : vector<128x1024xf32>, vector<1024x1024xf32>, vector<128x1024xf32> -> vector<128x1024xf32>
    %get3A_10 = arith.constant 0 : index
    %get3A_11 = arith.constant 0 : index
    %get3A_12 = arith.constant 0 : index
    %get3A_13 = vector.load %arg4[%get3A_10, %get3A_11, %get3A_12] : memref<1x1x1024xf32, #tpu.memory_space<vmem>>, vector<1x1x1024xf32>
    %get3A_14 = vector.shape_cast %get3A_13 : vector<1x1x1024xf32> to vector<1x1024xf32>
    %add3A = vector.broadcast %get3A_14 : vector<1x1024xf32> to vector<128x1024xf32>
    %add3A_15 = arith.addf %dot_general3A_9, %add3A : vector<128x1024xf32>
    %integer_pow3A = arith.mulf %add3A_15, %add3A_15 : vector<128x1024xf32>
    %integer_pow3A_16 = arith.mulf %add3A_15, %integer_pow3A : vector<128x1024xf32>
    %mul3A = arith.constant 4.471500e-02 : f32
    %mul3A_17 = vector.broadcast %mul3A : f32 to vector<128x1024xf32>
    %mul3A_18 = arith.mulf %mul3A_17, %integer_pow3A_16 : vector<128x1024xf32>
    %add3A_19 = arith.addf %add3A_15, %mul3A_18 : vector<128x1024xf32>
    %mul3A_20 = arith.constant 0.797884583 : f32
    %mul3A_21 = vector.broadcast %mul3A_20 : f32 to vector<128x1024xf32>
    %mul3A_22 = arith.mulf %mul3A_21, %add3A_19 : vector<128x1024xf32>
    %tanh3A = math.tanh %mul3A_22 : vector<128x1024xf32>
    %add3A_23 = arith.constant 1.000000e+00 : f32
    %add3A_24 = vector.broadcast %add3A_23 : f32 to vector<128x1024xf32>
    %add3A_25 = arith.addf %add3A_24, %tanh3A : vector<128x1024xf32>
    %mul3A_26 = arith.constant 5.000000e-01 : f32
    %mul3A_27 = vector.broadcast %mul3A_26 : f32 to vector<128x1024xf32>
    %mul3A_28 = arith.mulf %mul3A_27, %add3A_25 : vector<128x1024xf32>
    %mul3A_29 = arith.mulf %add3A_15, %mul3A_28 : vector<128x1024xf32>
    %get3A_30 = arith.constant 0 : index
    %get3A_31 = arith.constant 0 : index
    %get3A_32 = arith.constant 0 : index
    %get3A_33 = vector.load %arg5[%get3A_30, %get3A_31, %get3A_32] : memref<1x1024x1xf32, #tpu.memory_space<vmem>>, vector<1x1024x1xf32>
    %get3A_34 = vector.shape_cast %get3A_33 : vector<1x1024x1xf32> to vector<1024x1xf32>
    %dot_general3A_35 = arith.constant dense<0.000000e+00> : vector<128x1xf32>
    %dot_general3A_36 = tpu.matmul %mul3A_29, %get3A_34, %dot_general3A_35 {dimension_numbers = #tpu.dot_dimension_numbers<[1], [0], [0], [1], [0, 0, 1, 1], [], []>, transpose_lhs_hint = false} : vector<128x1024xf32>, vector<1024x1xf32>, vector<128x1xf32> -> vector<128x1xf32>
    %get3A_37 = arith.constant 0 : index
    %get3A_38 = arith.constant 0 : index
    %get3A_39 = arith.constant 0 : index
    %get3A_40 = vector.load %arg6[%get3A_37, %get3A_38, %get3A_39] : memref<1x1x1xf32, #tpu.memory_space<vmem>>, vector<1x1x1xf32>
    %get3A_41 = vector.extract %get3A_40[0, 0, 0] : f32 from vector<1x1x1xf32>
    %add3A_42 = vector.broadcast %get3A_41 : f32 to vector<128x1xf32>
    %add3A_43 = arith.addf %dot_general3A_36, %add3A_42 : vector<128x1xf32>
    %iota3A = tpu.iota {dimensions = array<i32: 1>} : vector<128x128xi32>
    %get3A_44 = arith.constant 0 : index
    %get3A_45 = arith.constant 0 : index
    %get3A_46 = vector.load %arg7[%get3A_44, %get3A_45] : memref<128x1xi32, #tpu.memory_space<vmem>>, vector<128x1xi32>
    %eq3A_47 = vector.broadcast %get3A_46 : vector<128x1xi32> to vector<128x128xi32>
    %eq3A_48 = arith.cmpi eq, %eq3A_47, %iota3A : vector<128x128xi32>
    %convert_element_type3A_49 = arith.extui %eq3A_48 : vector<128x128xi1> to vector<128x128xi32>
    %convert_element_type3A_50 = arith.sitofp %convert_element_type3A_49 : vector<128x128xi32> to vector<128x128xf32>
    %mul3A_51 = vector.broadcast %add3A_43 : vector<128x1xf32> to vector<128x128xf32>
    %mul3A_52 = arith.mulf %convert_element_type3A_50, %mul3A_51 : vector<128x128xf32>
    %reduce_sum3A = arith.constant dense<0.000000e+00> : vector<128xf32>
    %reduce_sum3A_53 = vector.multi_reduction <add>, %mul3A_52, %reduce_sum3A [0] : vector<128x128xf32> to vector<128xf32>
    %broadcast_in_dim3A = vector.shape_cast %reduce_sum3A_53 : vector<128xf32> to vector<1x128xf32>
    %iota3A_54 = tpu.iota {dimensions = array<i32: 0>} : vector<8x128xi32>
    %get3A_55 = arith.constant 0 : index
    %get3A_56 = arith.constant 0 : index
    %get3A_57 = vector.load %arg8[%get3A_55, %get3A_56] : memref<1x128xi32, #tpu.memory_space<vmem>>, vector<1x128xi32>
    %eq3A_58 = vector.broadcast %get3A_57 : vector<1x128xi32> to vector<8x128xi32>
    %eq3A_59 = arith.cmpi eq, %iota3A_54, %eq3A_58 : vector<8x128xi32>
    %convert_element_type3A_60 = arith.extui %eq3A_59 : vector<8x128xi1> to vector<8x128xi32>
    %convert_element_type3A_61 = arith.sitofp %convert_element_type3A_60 : vector<8x128xi32> to vector<8x128xf32>
    %get3A_62 = arith.constant 0 : index
    %get3A_63 = arith.constant 0 : index
    %get3A_64 = vector.load %arg9[%get3A_62, %get3A_63] : memref<8x128xf32, #tpu.memory_space<vmem>>, vector<8x128xf32>
    %mul3A_65 = vector.broadcast %broadcast_in_dim3A : vector<1x128xf32> to vector<8x128xf32>
    %mul3A_66 = arith.mulf %convert_element_type3A_61, %mul3A_65 : vector<8x128xf32>
    %add3A_67 = arith.addf %get3A_64, %mul3A_66 : vector<8x128xf32>
    %swap3A = arith.constant 0 : index
    %swap3A_68 = arith.constant 0 : index
    %swap3A_69 = vector.load %arg9[%swap3A, %swap3A_68] : memref<8x128xf32, #tpu.memory_space<vmem>>, vector<8x128xf32>
    tpu.vector_store %arg9[%swap3A, %swap3A_68], %add3A_67 {strides = array<i32>} : memref<8x128xf32, #tpu.memory_space<vmem>>, vector<8x128xf32>,
    return
  }
  func.func @transform_0(%arg0: i32, %arg1: memref<128xi32, #tpu.memory_space<smem>>) -> (i32, i32) {
    %c0_i32 = arith.constant 0 : i32
    %c0_i32_0 = arith.constant 0 : i32
    return %arg0, %c0_i32 : i32, i32
  }
  func.func @transform_1(%arg0: i32, %arg1: memref<128xi32, #tpu.memory_space<smem>>) -> (i32, i32, i32) {
    %add3A = arith.constant 18 : i32
    %add3A_0 = arith.addi %add3A, %arg0 : i32
    %get3A = arith.index_cast %add3A_0 : i32 to index
    %get3A_1 = memref.load %arg1[%get3A] : memref<128xi32, #tpu.memory_space<smem>>
    %c0_i32 = arith.constant 0 : i32
    %c0_i32_2 = arith.constant 0 : i32
    %c0_i32_3 = arith.constant 0 : i32
    return %get3A_1, %c0_i32, %c0_i32_2 : i32, i32, i32
  }
  func.func @transform_2(%arg0: i32, %arg1: memref<128xi32, #tpu.memory_space<smem>>) -> (i32, i32, i32) {
    %add3A = arith.constant 18 : i32
    %add3A_0 = arith.addi %add3A, %arg0 : i32
    %get3A = arith.index_cast %add3A_0 : i32 to index
    %get3A_1 = memref.load %arg1[%get3A] : memref<128xi32, #tpu.memory_space<smem>>
    %c0_i32 = arith.constant 0 : i32
    %c0_i32_2 = arith.constant 0 : i32
    %c0_i32_3 = arith.constant 0 : i32
    return %get3A_1, %c0_i32, %c0_i32_2 : i32, i32, i32
  }
  func.func @transform_3(%arg0: i32, %arg1: memref<128xi32, #tpu.memory_space<smem>>) -> (i32, i32, i32) {
    %add3A = arith.constant 18 : i32
    %add3A_0 = arith.addi %add3A, %arg0 : i32
    %get3A = arith.index_cast %add3A_0 : i32 to index
    %get3A_1 = memref.load %arg1[%get3A] : memref<128xi32, #tpu.memory_space<smem>>
    %c0_i32 = arith.constant 0 : i32
    %c0_i32_2 = arith.constant 0 : i32
    %c0_i32_3 = arith.constant 0 : i32
    return %get3A_1, %c0_i32, %c0_i32_2 : i32, i32, i32
  }
  func.func @transform_4(%arg0: i32, %arg1: memref<128xi32, #tpu.memory_space<smem>>) -> (i32, i32, i32) {
    %add3A = arith.constant 18 : i32
    %add3A_0 = arith.addi %add3A, %arg0 : i32
    %get3A = arith.index_cast %add3A_0 : i32 to index
    %get3A_1 = memref.load %arg1[%get3A] : memref<128xi32, #tpu.memory_space<smem>>
    %c0_i32 = arith.constant 0 : i32
    %c0_i32_2 = arith.constant 0 : i32
    %c0_i32_3 = arith.constant 0 : i32
    return %get3A_1, %c0_i32, %c0_i32_2 : i32, i32, i32
  }
  func.func @transform_5(%arg0: i32, %arg1: memref<128xi32, #tpu.memory_space<smem>>) -> (i32, i32) {
    %add3A = arith.constant 18 : i32
    %add3A_0 = arith.addi %add3A, %arg0 : i32
    %c0_i32 = arith.constant 0 : i32
    %c0_i32_1 = arith.constant 0 : i32
    return %add3A_0, %c0_i32 : i32, i32
  }
  func.func @transform_6(%arg0: i32, %arg1: memref<128xi32, #tpu.memory_space<smem>>) -> (i32, i32) {
    %c0_i32 = arith.constant 0 : i32
    %c0_i32_0 = arith.constant 0 : i32
    %c0_i32_1 = arith.constant 0 : i32
    return %c0_i32, %c0_i32_0 : i32, i32
  }
  func.func @transform_7(%arg0: i32, %arg1: memref<128xi32, #tpu.memory_space<smem>>) -> (i32, i32) {
    %c0_i32 = arith.constant 0 : i32
    %c0_i32_0 = arith.constant 0 : i32
    %c0_i32_1 = arith.constant 0 : i32
    return %c0_i32, %c0_i32_0 : i32, i32
  }
}

module attributes {stable_mosaic.version = 14 : i64} {
  func.func @_tc_body(%arg0: i32, %arg1: memref<128xi32, #tpu.memory_space<smem>>, %arg2: memref<128x1024xf32, #tpu.memory_space<vmem>>, %arg3: memref<1x1024x1024xf32, #tpu.memory_space<vmem>>, %arg4: memref<1x1x1024xf32, #tpu.memory_space<vmem>>, %arg5: memref<1x1024x1xf32, #tpu.memory_space<vmem>>, %arg6: memref<1x1x1xf32, #tpu.memory_space<vmem>>, %arg7: memref<128x1xi32, #tpu.memory_space<vmem>>, %arg8: memref<1x128xi32, #tpu.memory_space<vmem>>, %arg9: memref<8x128xf32, #tpu.memory_space<vmem>>) attributes {dimension_semantics = [#tpu.dimension_semantics<arbitrary>], iteration_bounds = array<i64: 18>, scalar_prefetch = 1 : i64, scratch_operands = 0 : i64, tpu.core_type = #tpu.core_type<tc>, window_params = [{transform_indices = @transform_0, window_bounds = array<i64: 128, 1024>}, {transform_indices = @transform_1, window_bounds = array<i64: 1, 1024, 1024>}, {transform_indices = @transform_2, window_bounds = array<i64: 1, 1, 1024>}, {transform_indices = @transform_3, window_bounds = array<i64: 1, 1024, 1>}, {transform_indices = @transform_4, window_bounds = array<i64: 1, 1, 1>}, {transform_indices = @transform_5, window_bounds = array<i64: 128, 1>}, {pipeline_mode = #tpu.pipeline_mode<synchronous>, transform_indices = @transform_6, window_bounds = array<i64: 1, 128>}, {pipeline_mode = #tpu.pipeline_mode<synchronous>, transform_indices = @transform_7, window_bounds = array<i64: 8, 128>}]} {
    %eq3A = arith.constant 0 : i32
    %eq3A_0 = arith.cmpi eq, %arg0, %eq3A : i32
    %convert_element_type3A = arith.extui %eq3A_0 : i1 to i32
    %cond3A = arith.constant 0 : i32
    %cond3A_1 = arith.cmpi ne, %convert_element_type3A, %cond3A : i32
    scf.if %cond3A_1 {
      %broadcast_in_dim3A_70 = arith.constant 0.000000e+00 : f32
      %broadcast_in_dim3A_71 = vector.broadcast %broadcast_in_dim3A_70 : f32 to vector<8x128xf32>
      %swap3A_72 = arith.constant 0 : index
      %swap3A_73 = arith.constant 0 : index
      %swap3A_74 = vector.load %arg9[%swap3A_72, %swap3A_73] : memref<8x128xf32, #tpu.memory_space<vmem>>, vector<8x128xf32>
      tpu.vector_store %arg9[%swap3A_72, %swap3A_73], %broadcast_in_dim3A_71 {strides = array<i32>} : memref<8x128xf32, #tpu.memory_space<vmem>>, vector<8x128xf32>,
    } else {
    }
    %get3A = arith.constant 0 : index
    %get3A_2 = arith.constant 0 : index
    %get3A_3 = vector.load %arg2[%get3A, %get3A_2] : memref<128x1024xf32, #tpu.memory_space<vmem>>, vector<128x1024xf32>
    %get3A_4 = arith.constant 0 : index
    %get3A_5 = arith.constant 0 : index
    %get3A_6 = arith.constant 0 : index
    %get3A_7 = vector.load %arg3[%get3A_4, %get3A_5, %get3A_6] : memref<1x1024x1024xf32, #tpu.memory_space<vmem>>, vector<1x1024x1024xf32>
    %get3A_8 = vector.shape_cast %get3A_7 : vector<1x1024x1024xf32> to vector<1024x1024xf32>
    %dot_general3A = arith.constant dense<0.000000e+00> : vector<128x1024xf32>
    %dot_general3A_9 = tpu.matmul %get3A_3, %get3A_8, %dot_general3A {dimension_numbers = #tpu.dot_dimension_numbers<[1], [0], [0], [1], [0, 0, 1, 1], [], []>, transpose_lhs_hint = false} : vector<128x1024xf32>, vector<1024x1024xf32>, vector<128x1024xf32> -> vector<128x1024xf32>
    %get3A_10 = arith.constant 0 : index
    %get3A_11 = arith.constant 0 : index
    %get3A_12 = arith.constant 0 : index
    %get3A_13 = vector.load %arg4[%get3A_10, %get3A_11, %get3A_12] : memref<1x1x1024xf32, #tpu.memory_space<vmem>>, vector<1x1x1024xf32>
    %get3A_14 = vector.shape_cast %get3A_13 : vector<1x1x1024xf32> to vector<1x1024xf32>
    %add3A = vector.broadcast %get3A_14 : vector<1x1024xf32> to vector<128x1024xf32>
    %add3A_15 = arith.addf %dot_general3A_9, %add3A : vector<128x1024xf32>
    %integer_pow3A = arith.mulf %add3A_15, %add3A_15 : vector<128x1024xf32>
    %integer_pow3A_16 = arith.mulf %add3A_15, %integer_pow3A : vector<128x1024xf32>
    %mul3A = arith.constant 4.471500e-02 : f32
    %mul3A_17 = vector.broadcast %mul3A : f32 to vector<128x1024xf32>
    %mul3A_18 = arith.mulf %mul3A_17, %integer_pow3A_16 : vector<128x1024xf32>
    %add3A_19 = arith.addf %add3A_15, %mul3A_18 : vector<128x1024xf32>
    %mul3A_20 = arith.constant 0.797884583 : f32
    %mul3A_21 = vector.broadcast %mul3A_20 : f32 to vector<128x1024xf32>
    %mul3A_22 = arith.mulf %mul3A_21, %add3A_19 : vector<128x1024xf32>
    %tanh3A = math.tanh %mul3A_22 : vector<128x1024xf32>
    %add3A_23 = arith.constant 1.000000e+00 : f32
    %add3A_24 = vector.broadcast %add3A_23 : f32 to vector<128x1024xf32>
    %add3A_25 = arith.addf %add3A_24, %tanh3A : vector<128x1024xf32>
    %mul3A_26 = arith.constant 5.000000e-01 : f32
    %mul3A_27 = vector.broadcast %mul3A_26 : f32 to vector<128x1024xf32>
    %mul3A_28 = arith.mulf %mul3A_27, %add3A_25 : vector<128x1024xf32>
    %mul3A_29 = arith.mulf %add3A_15, %mul3A_28 : vector<128x1024xf32>
    %get3A_30 = arith.constant 0 : index
    %get3A_31 = arith.constant 0 : index
    %get3A_32 = arith.constant 0 : index
    %get3A_33 = vector.load %arg5[%get3A_30, %get3A_31, %get3A_32] : memref<1x1024x1xf32, #tpu.memory_space<vmem>>, vector<1x1024x1xf32>
    %get3A_34 = vector.shape_cast %get3A_33 : vector<1x1024x1xf32> to vector<1024x1xf32>
    %dot_general3A_35 = arith.constant dense<0.000000e+00> : vector<128x1xf32>
    %dot_general3A_36 = tpu.matmul %mul3A_29, %get3A_34, %dot_general3A_35 {dimension_numbers = #tpu.dot_dimension_numbers<[1], [0], [0], [1], [0, 0, 1, 1], [], []>, transpose_lhs_hint = false} : vector<128x1024xf32>, vector<1024x1xf32>, vector<128x1xf32> -> vector<128x1xf32>
    %get3A_37 = arith.constant 0 : index
    %get3A_38 = arith.constant 0 : index
    %get3A_39 = arith.constant 0 : index
    %get3A_40 = vector.load %arg6[%get3A_37, %get3A_38, %get3A_39] : memref<1x1x1xf32, #tpu.memory_space<vmem>>, vector<1x1x1xf32>
    %get3A_41 = vector.extract %get3A_40[0, 0, 0] : f32 from vector<1x1x1xf32>
    %add3A_42 = vector.broadcast %get3A_41 : f32 to vector<128x1xf32>
    %add3A_43 = arith.addf %dot_general3A_36, %add3A_42 : vector<128x1xf32>
    %iota3A = tpu.iota {dimensions = array<i32: 1>} : vector<128x128xi32>
    %get3A_44 = arith.constant 0 : index
    %get3A_45 = arith.constant 0 : index
    %get3A_46 = vector.load %arg7[%get3A_44, %get3A_45] : memref<128x1xi32, #tpu.memory_space<vmem>>, vector<128x1xi32>
    %eq3A_47 = vector.broadcast %get3A_46 : vector<128x1xi32> to vector<128x128xi32>
    %eq3A_48 = arith.cmpi eq, %eq3A_47, %iota3A : vector<128x128xi32>
    %convert_element_type3A_49 = arith.extui %eq3A_48 : vector<128x128xi1> to vector<128x128xi32>
    %convert_element_type3A_50 = arith.sitofp %convert_element_type3A_49 : vector<128x128xi32> to vector<128x128xf32>
    %mul3A_51 = vector.broadcast %add3A_43 : vector<128x1xf32> to vector<128x128xf32>
    %mul3A_52 = arith.mulf %convert_element_type3A_50, %mul3A_51 : vector<128x128xf32>
    %reduce_sum3A = arith.constant dense<0.000000e+00> : vector<128xf32>
    %reduce_sum3A_53 = vector.multi_reduction <add>, %mul3A_52, %reduce_sum3A [0] : vector<128x128xf32> to vector<128xf32>
    %broadcast_in_dim3A = vector.shape_cast %reduce_sum3A_53 : vector<128xf32> to vector<1x128xf32>
    %iota3A_54 = tpu.iota {dimensions = array<i32: 0>} : vector<8x128xi32>
    %get3A_55 = arith.constant 0 : index
    %get3A_56 = arith.constant 0 : index
    %get3A_57 = vector.load %arg8[%get3A_55, %get3A_56] : memref<1x128xi32, #tpu.memory_space<vmem>>, vector<1x128xi32>
    %eq3A_58 = vector.broadcast %get3A_57 : vector<1x128xi32> to vector<8x128xi32>
    %eq3A_59 = arith.cmpi eq, %iota3A_54, %eq3A_58 : vector<8x128xi32>
    %convert_element_type3A_60 = arith.extui %eq3A_59 : vector<8x128xi1> to vector<8x128xi32>
    %convert_element_type3A_61 = arith.sitofp %convert_element_type3A_60 : vector<8x128xi32> to vector<8x128xf32>
    %get3A_62 = arith.constant 0 : index
    %get3A_63 = arith.constant 0 : index
    %get3A_64 = vector.load %arg9[%get3A_62, %get3A_63] : memref<8x128xf32, #tpu.memory_space<vmem>>, vector<8x128xf32>
    %mul3A_65 = vector.broadcast %broadcast_in_dim3A : vector<1x128xf32> to vector<8x128xf32>
    %mul3A_66 = arith.mulf %convert_element_type3A_61, %mul3A_65 : vector<8x128xf32>
    %add3A_67 = arith.addf %get3A_64, %mul3A_66 : vector<8x128xf32>
    %swap3A = arith.constant 0 : index
    %swap3A_68 = arith.constant 0 : index
    %swap3A_69 = vector.load %arg9[%swap3A, %swap3A_68] : memref<8x128xf32, #tpu.memory_space<vmem>>, vector<8x128xf32>
    tpu.vector_store %arg9[%swap3A, %swap3A_68], %add3A_67 {strides = array<i32>} : memref<8x128xf32, #tpu.memory_space<vmem>>, vector<8x128xf32>,
    return
  }
  func.func @transform_0(%arg0: i32, %arg1: memref<128xi32, #tpu.memory_space<smem>>) -> (i32, i32) {
    %c0_i32 = arith.constant 0 : i32
    %c0_i32_0 = arith.constant 0 : i32
    return %arg0, %c0_i32 : i32, i32
  }
  func.func @transform_1(%arg0: i32, %arg1: memref<128xi32, #tpu.memory_space<smem>>) -> (i32, i32, i32) {
    %add3A = arith.constant 0 : i32
    %add3A_0 = arith.addi %add3A, %arg0 : i32
    %get3A = arith.index_cast %add3A_0 : i32 to index
    %get3A_1 = memref.load %arg1[%get3A] : memref<128xi32, #tpu.memory_space<smem>>
    %c0_i32 = arith.constant 0 : i32
    %c0_i32_2 = arith.constant 0 : i32
    %c0_i32_3 = arith.constant 0 : i32
    return %get3A_1, %c0_i32, %c0_i32_2 : i32, i32, i32
  }
  func.func @transform_2(%arg0: i32, %arg1: memref<128xi32, #tpu.memory_space<smem>>) -> (i32, i32, i32) {
    %add3A = arith.constant 0 : i32
    %add3A_0 = arith.addi %add3A, %arg0 : i32
    %get3A = arith.index_cast %add3A_0 : i32 to index
    %get3A_1 = memref.load %arg1[%get3A] : memref<128xi32, #tpu.memory_space<smem>>
    %c0_i32 = arith.constant 0 : i32
    %c0_i32_2 = arith.constant 0 : i32
    %c0_i32_3 = arith.constant 0 : i32
    return %get3A_1, %c0_i32, %c0_i32_2 : i32, i32, i32
  }
  func.func @transform_3(%arg0: i32, %arg1: memref<128xi32, #tpu.memory_space<smem>>) -> (i32, i32, i32) {
    %add3A = arith.constant 0 : i32
    %add3A_0 = arith.addi %add3A, %arg0 : i32
    %get3A = arith.index_cast %add3A_0 : i32 to index
    %get3A_1 = memref.load %arg1[%get3A] : memref<128xi32, #tpu.memory_space<smem>>
    %c0_i32 = arith.constant 0 : i32
    %c0_i32_2 = arith.constant 0 : i32
    %c0_i32_3 = arith.constant 0 : i32
    return %get3A_1, %c0_i32, %c0_i32_2 : i32, i32, i32
  }
  func.func @transform_4(%arg0: i32, %arg1: memref<128xi32, #tpu.memory_space<smem>>) -> (i32, i32, i32) {
    %add3A = arith.constant 0 : i32
    %add3A_0 = arith.addi %add3A, %arg0 : i32
    %get3A = arith.index_cast %add3A_0 : i32 to index
    %get3A_1 = memref.load %arg1[%get3A] : memref<128xi32, #tpu.memory_space<smem>>
    %c0_i32 = arith.constant 0 : i32
    %c0_i32_2 = arith.constant 0 : i32
    %c0_i32_3 = arith.constant 0 : i32
    return %get3A_1, %c0_i32, %c0_i32_2 : i32, i32, i32
  }
  func.func @transform_5(%arg0: i32, %arg1: memref<128xi32, #tpu.memory_space<smem>>) -> (i32, i32) {
    %add3A = arith.constant 0 : i32
    %add3A_0 = arith.addi %add3A, %arg0 : i32
    %c0_i32 = arith.constant 0 : i32
    %c0_i32_1 = arith.constant 0 : i32
    return %add3A_0, %c0_i32 : i32, i32
  }
  func.func @transform_6(%arg0: i32, %arg1: memref<128xi32, #tpu.memory_space<smem>>) -> (i32, i32) {
    %c0_i32 = arith.constant 0 : i32
    %c0_i32_0 = arith.constant 0 : i32
    %c0_i32_1 = arith.constant 0 : i32
    return %c0_i32, %c0_i32_0 : i32, i32
  }
  func.func @transform_7(%arg0: i32, %arg1: memref<128xi32, #tpu.memory_space<smem>>) -> (i32, i32) {
    %c0_i32 = arith.constant 0 : i32
    %c0_i32_0 = arith.constant 0 : i32
    %c0_i32_1 = arith.constant 0 : i32
    return %c0_i32, %c0_i32_0 : i32, i32
  }
}

</mosaic_0001>

<sc_bundles>
// kernel: kernel.10.cloned.1.call-start
scs
__scs_entry_jumppad:
0x0: {  	(pc) =	sbr.rel $0x88, $3  }
0x1: {  	(tag) =	ssettag $0x0;
	lr =	simm.s32 $0x1  }
0x2: {  	[smem:$0x3F9A] =	sst lr;
	_ =	strace $0xD0000000  }
0x3: {  	_ = 	snop  }
0x4: {  	_ = 	snop  }
0x5: {  	_ = 	snop  }
0x6: {  	_ = 	snop  }
0x7: {  	_ = 	snop  }
__scs_overlays_trampoline_lowered:
0x8: {  	[smem:$0x3FA9] =	sst s0  }
0x9: {  	[smem:$0x3FAA] =	sst s1  }
0xa: {  	[smem:$0x3FAB] =	sst s2  }
0xb: {  	[smem:$0x3FAC] =	sst s3  }
0xc: {  	[smem:$0x3FAD] =	sst s4  }
0xd: {  	[smem:$0x3FAE] =	sst s5  }
0xe: {  	[smem:$0x3FAF] =	sst s6  }
0xf: {  	[smem:$0x3FB0] =	sst s7  }
0x10: {  	[smem:$0x3FB1] =	sst s8  }
0x11: {  	[smem:$0x3FB2] =	sst s9;
	s0 =	simm.s32 @!p0 $0x0  }
0x12: {  	s1 =	sld [smem:$0x3F98];
	s0 =	simm.s32 @p0 $0x1  }
0x13: {  	[smem:$0x3FB3] =	sst s0;
	s0 =	simm.s32 @!p1 $0x0  }
0x14: {  	s2 =	sld [smem:$0x3F97];
	s0 =	simm.s32 @p1 $0x1  }
0x15: {  	[smem:$0x3FB4] =	sst s0;
	s0 =	simm.s32 @!p2 $0x0  }
0x16: {  	s3 =	sld [smem:$0x3FDB];
	s0 =	simm.s32 @p2 $0x1  }
0x17: {  	s4 =	simm.s32 $0x1BF5;
	[smem:$0x3FB6] =	sst s0  }
0x18: {  	s0 =	sld [smem:$0x3F99];
	_ =	swait.ge [sflag:s4], $0x0  }
0x19: {  	s7 =	sld [smem:$0x3F9A]  }
0x1a: {  	s8 =	sadd.s32 $0xFFFFE003, lr  }
0x1b: {  	s9 =	sadd.s32 $0xFFFFFEF7, lr;
	s5 =	simm.s32 $0xFFFFFFFF;
	p2 =	slt.u32 s8, $0xFFFFF086  }
0x1c: {  	p1 =	slt.u32 s9, $0xF7A;
	s5 =	simm.s32 @!p2 $0x0  }
0x1d: {  	s5 =	simm.s32 @p1 $0x1;
	p0 =	seq.s32 s7, s2  }
0x1e: {  	s7 =	smul.u32 @!p0 $0xF7A, s2;
	p2 =	seq.s32 @!p0 s5, $0x0  }
0x1f: {  	s9 =	smul.u32 $0xF7A, s1;
	s8 =	simm.s32 @!p0 $0x1BF5;
	p2 =	por !p2, p0  }
0x20: {  	[sflag:s8] =	ssyncset.s32 @!p0 $0xFFFFF086;
	s6 =	sadd.s32 @!p0 s3, s7;
	s7 =	simm.s32 @!p0 $0x108  }
0x21: {  	s3 =	sadd.s32 s3, s9;
	s6 =	sadd.s32 @!p0 $0x88, s6;
	s7 =	simm.s32 @p2 $0x1082  }
0x22: {  	[simem:s7], [sflag:s8] =	dma.local @!p0 [hbm:s6], $0xF7A  }
0x23: {  	s9 =	sor.u32 $0xD0000000, s2;
	s6 =	simm.s32 $0x108;
	_ =	swait.ge @!p0 [sflag:s8], $0x0  }
0x24: {  	s3 =	sadd.s32 $0x88, s3;
	s6 =	simm.s32 @!p1 $0x1082;
	[sflag:s4] =	ssyncset.s32 $0xFFFFF086  }
0x25: {  	[simem:s6], [sflag:s4] =	dma.local [hbm:s3], $0xF7A  }
0x26: {  	[smem:$0x3F9A] =	sst s1;
	(tag) =	ssettag s2;
	_ =	strace s9  }
0x27: {  	s1 =	sld [smem:$0x3FAA]  }
0x28: {  	s2 =	sld [smem:$0x3FAB]  }
0x29: {  	s4 =	sld [smem:$0x3FAD]  }
0x2a: {  	p0 =	seq.s32 s5, $0x0;
	s5 =	sld [smem:$0x3FAE]  }
0x2b: {  	s6 =	sld [smem:$0x3FAF]  }
0x2c: {  	s7 =	sld [smem:$0x3FB0]  }
0x2d: {  	s3 =	simm.s32 $0x108;
	s8 =	sld [smem:$0x3FB1]  }
0x2e: {  	s3 =	simm.s32 @!p0 $0x1082;
	s9 =	sld [smem:$0x3FB2]  }
0x2f: {  	lr =	sadd.s32 s0, s3;
	s0 =	sld [smem:$0x3FA9]  }
0x30: {  	s3 =	sld [smem:$0x3FAC]  }
0x31: {  	[smem:$0x3FB5] =	sst s10  }
0x32: {  	s10 =	sld [smem:$0x3FB3];
	_ =	sdelay $0x3  }
0x33: {  	p0 =	seq.s32 s10, $0x1;
	s10 =	sld [smem:$0x3FB5];
	_ =	sdelay $0x3  }
0x34: {  	[smem:$0x3FB5] =	sst s10  }
0x35: {  	s10 =	sld [smem:$0x3FB4];
	_ =	sdelay $0x3  }
0x36: {  	p1 =	seq.s32 s10, $0x1;
	s10 =	sld [smem:$0x3FB5];
	_ =	sdelay $0x3  }
0x37: {  	[smem:$0x3FB5] =	sst s10  }
0x38: {  	s10 =	sld [smem:$0x3FB6]  }
0x39: {  	_ = 	snop;
	(pc) =	sbr.ind lr, $3  }
0x3a: {  	_ = 	snop  }
0x3b: {  	_ = 	snop  }
0x3c: {  	p2 =	seq.s32 s10, $0x1;
	s10 =	sld [smem:$0x3FB5]  }
0x3d: {  	_ =	shalt  }
0x3e: {  	_ =	shalt  }
0x3f: {  	_ =	shalt  }
0x40: {  	_ =	shalt  }
0x41: {  	_ =	shalt  }
0x42: {  	_ =	shalt  }
0x43: {  	_ =	shalt  }
0x44: {  	_ =	shalt  }
0x45: {  	_ =	shalt  }
0x46: {  	_ =	shalt  }
0x47: {  	_ =	shalt  }
0x48: {  	_ =	shalt  }
0x49: {  	_ =	shalt  }
0x4a: {  	_ =	shalt  }
0x4b: {  	_ =	shalt  }
0x4c: {  	_ =	shalt  }
0x4d: {  	_ =	shalt  }
0x4e: {  	_ =	shalt  }
0x4f: {  	_ =	shalt  }
0x50: {  	_ =	shalt  }
0x51: {  	_ =	shalt  }
0x52: {  	_ =	shalt  }
0x53: {  	_ =	shalt  }
0x54: {  	_ =	shalt  }
0x55: {  	_ =	shalt  }
0x56: {  	_ =	shalt  }
0x57: {  	_ =	shalt  }
0x58: {  	_ =	shalt  }
0x59: {  	_ =	shalt  }
0x5a: {  	_ =	shalt  }
0x5b: {  	_ =	shalt  }
0x5c: {  	_ =	shalt  }
0x5d: {  	_ =	shalt  }
0x5e: {  	_ =	shalt  }
0x5f: {  	_ =	shalt  }
0x60: {  	_ =	shalt  }
0x61: {  	_ =	shalt  }
0x62: {  	_ =	shalt  }
0x63: {  	_ =	shalt  }
0x64: {  	_ =	shalt  }
0x65: {  	_ =	shalt  }
0x66: {  	_ =	shalt  }
0x67: {  	_ =	shalt  }
0x68: {  	_ =	shalt  }
0x69: {  	_ =	shalt  }
0x6a: {  	_ =	shalt  }
0x6b: {  	_ =	shalt  }
0x6c: {  	_ =	shalt  }
0x6d: {  	_ =	shalt  }
0x6e: {  	_ =	shalt  }
0x6f: {  	_ =	shalt  }
0x70: {  	_ =	shalt  }
0x71: {  	_ =	shalt  }
0x72: {  	_ =	shalt  }
0x73: {  	_ =	shalt  }
0x74: {  	_ =	shalt  }
0x75: {  	_ =	shalt  }
0x76: {  	_ =	shalt  }
0x77: {  	_ =	shalt  }
0x78: {  	_ =	shalt  }
0x79: {  	_ =	shalt  }
0x7a: {  	_ =	shalt  }
0x7b: {  	_ =	shalt  }
0x7c: {  	_ =	shalt  }
0x7d: {  	_ =	shalt  }
0x7e: {  	_ =	shalt  }
0x7f: {  	_ =	shalt  }
0x80: {  	_ =	shalt  }
0x81: {  	_ =	shalt  }
0x82: {  	_ =	shalt  }
0x83: {  	_ =	shalt  }
0x84: {  	_ =	shalt  }
0x85: {  	_ =	shalt  }
0x86: {  	_ =	shalt  }
0x87: {  	_ =	shalt  }
.Lfunc_end0:
.L_simem_size_0:
called_computation.1_lowered:
.L_overlay_start_0:
0x88: {  	s2 =	sld [smem:$0x3FD9]  }
0x89: {  	s3 =	sld [smem:$0x3FFE];
	_ =	sdelay $0x1  }
0x8a: {  	s1 =	srdreg.scid  }
0x8b: {  	s0 =	sand.u32 $0x1, s1  }
0x8c: {  	s17 =	sshll.u32 s0, $0xA;
	s2 =	sadd.s32 s3, s2  }
0x8d: {  	s2 =	sadd.s32 s2, s17  }
0x8e: {  	[smem:$0x3FC1] =	sst s2  }
0x8f: {  	_ = 	snop  }
0x90: {  	s2 =	sld [smem:$0x3FC9];
	(tm) =	ssettm $0x1  }
0x91: {  	s18 =	sld [smem:$0x3FFB];
	_ =	sdelay $0x3  }
0x92: {  	_ =	strace s18  }
0x93: {  	s3 =	sld [smem:$0x3FFC];
	_ =	sdelay $0x3  }
0x94: {  	_ =	strace s3  }
0x95: {  	s3 =	sld [smem:$0x3FFD];
	_ =	sdelay $0x3  }
0x96: {  	_ =	strace s3  }
0x97: {  	_ =	strace $0x8FFFFFFF  }
0x98: {  	s19 =	sld [smem:$0x3FDB];
	_ =	sdelay $0x1  }
0x99: {  	s4 =	simm.s32 $_scs_section_size  }
0x9a: {  	s5 =	simm.s32 $_size__tile_overlayer_lowered;
	s6 =	simm.s32 $_tile_overlayer_lowered  }
0x9b: {  	s22 =	simm.s32 $0x1BFF;
	s21 =	sshll.u32 s6, $0x1;
	s3 =	sadd.s32 s4, s19  }
0x9c: {  	s7 =	simm.s32 $0x0;
	s20 =	sshll.u32 s5, $0x1;
	s5 =	sadd.s32 s21, s3  }
0x9d: {  	[timem:s7], [sflag:s22] =	dma.local [hbm:s5], s20  }
0x9e: {  	_ =	swait.ge [sflag:s22], s20  }
0x9f: {  	s4 =	ssub.s32 $0x0, s20;
	[sflag:s22] =	ssyncset.done $0x0  }
0xa0: {  	[sflag:s22] =	ssyncadd.s32 s4;
	_ =	sdelay $0x1  }
0xa1: {  	s23 =	simm.s32 $0x1B8B  }
0xa2: {  	_ =	swait.ge [sflag:s23], $0x1  }
0xa3: {  	[sflag:s23] =	ssyncset.done $0x0  }
0xa4: {  	s25 =	simm.s32 $0x1B8E;
	s24 =	sld [smem:$0x3FFE];
	[sflag:s23] =	ssyncadd.s32 $0xFFFFFFFF  }
0xa5: {  	s26 =	simm.s32 $execute0_lowered;
	[smem:$0x3FD2] =	sst s25  }
0xa6: {  	s5 =	sshll.u32 s26, $0x1;
	_ =	strace $0x80000046;
	[dreg:$0x1] =	wrdreg $0xFFFFFFFF  }
0xa7: {  	s28 =	simm.s32 $_size_execute0_lowered;
	s3 =	sadd.s32 s3, s5;
	[dreg:$0x0] =	wrdreg $0x0  }
0xa8: {  	s5 =	sshll.u32 s28, $0x1;
	[dreg:$0x2] =	wrdreg s3  }
0xa9: {  	[dreg:$0x3] =	wrdreg s5  }
0xaa: {  	[dreg:$0x4] =	wrdreg $0xC0  }
0xab: {  	_ =	task [dreg:s7], $0x5FFFF  }
0xac: {  	[dreg:$0x1] =	wrdreg $0xFFFFFFFF  }
0xad: {  	[dreg:$0x0] =	wrdreg $0x60  }
0xae: {  	[dreg:$0x2] =	wrdreg s2  }
0xaf: {  	[dreg:$0x3] =	wrdreg s24  }
0xb0: {  	[dreg:$0x4] =	wrdreg $0xA  }
0xb1: {  	_ =	task.clear_ibuf [dreg:s7], $0x5FFFF;
	_ =	strace $0x90000046  }
0xb2: {  	s29 =	simm.s32 $0xA;
	_ =	strace $0x80000048  }
0xb3: {  	_ =	swait.ge [sflag:s29], $0x1  }
0xb4: {  	[sflag:s29] =	ssyncadd.s32 $0xFFFFFFFF  }
0xb5: {  	_ =	strace $0x90000048  }
0xb6: {  	_ =	sfence  }
0xb7: {  	s30 =	sld [smem:$0x0];
	_ =	sdelay $0x2  }
0xb8: {  	s31 =	sshll.u32 s1, $0xD;
	s1 =	sshrl.u32 s1, $0x2  }
0xb9: {  	s3 =	sand.u32 $0x4000, s31;
	s1 =	sadd.s32 s1, s30  }
0xba: {  	s0 =	sor.u32 s3, s0;
	s1 =	sshll.u32 s1, $0x11  }
0xbb: {  	s0 =	sor.u32 s1, s0  }
0xbc: {  	s0 =	sadd.s32 $0x8F2B, s0  }
0xbd: {  	[sflag:s0] =	ssyncadd.remote.s32 $0x1  }
0xbe: {  	_ =	sfence.sel $0xFFFF  }
0xbf: {  	[dreg:$0x0] =	wrdreg $0xFFFFFFFF;
	(pc) =	sbr.abs _section_cstart, $3  }
0xc0: {  	[dreg:$0x1] =	wrdreg $0xFFFFFFFF  }
0xc1: {  	_ =	task.clear_ibuf [dreg:s7], $0x2FFFF;
	_ =	strace $0x9FFFFFFF  }
0xc2: {  	(tm) =	ssettm $0x7FFFFFFF  }
0xc3: {  	_ =	shalt  }
tec
execute0_lowered:
.L_overlay_start_1:
0x0: {  	(tag) =	ssettag $0x1  }
0x1: {  	s1 =	srdreg.scid;
	s0 =	stileid.u32  }
0x2: {  	s2 =	rddreg [dreg:$0x0];
	s1 =	sand.u32 $0x1, s1;
	s3 =	sshll.u32 s0, $0x1  }
0x3: {  	s5 =	rddreg [dreg:$0x1];
	s4 =	sor.u32 s1, s3;
	s3 =	simm.s32 $0x0  }
0x4: {  	s13 =	simm.s32 $0x880;
	[smem:$0x7FF] =	sst s3  }
0x5: {  	s14 =	simm.s32 $0x1080;
	_ =	strace $0x80000047;
	[dreg:$0x5] =	wrdreg s13  }
0x6: {  	s15 =	simm.s32 $0x1880;
	[dreg:$0x6] =	wrdreg s14  }
0x7: {  	s16 =	simm.s32 $0x2080;
	[dreg:$0x7] =	wrdreg s15  }
0x8: {  	s17 =	simm.s32 $0x2880;
	[dreg:$0x8] =	wrdreg s16  }
0x9: {  	s18 =	simm.s32 $0x3080;
	s19 =	simm.s32 $0x3880;
	[dreg:$0x9] =	wrdreg s17  }
0xa: {  	s20 =	simm.s32 $0x4080;
	s22 =	simm.s32 $0x4880;
	[dreg:$0xa] =	wrdreg s18  }
0xb: {  	s23 =	simm.s32 $0x5080;
	s24 =	simm.s32 $0x5880;
	[dreg:$0xb] =	wrdreg s19  }
0xc: {  	s7 =	simm.s32 $0x6080;
	s8 =	simm.s32 $0x6880;
	[dreg:$0xc] =	wrdreg s20  }
0xd: {  	s25 =	simm.s32 $0x7080;
	s26 =	simm.s32 $0x7880;
	[dreg:$0xd] =	wrdreg s22  }
0xe: {  	s9 =	simm.s32 $0x80;
	s11 =	simm.s32 $0x8880;
	[dreg:$0xe] =	wrdreg s23  }
0xf: {  	s28 =	simm.s32 $0x10880;
	s29 =	simm.s32 $0x11080;
	[dreg:$0xf] =	wrdreg s24  }
0x10: {  	s30 =	simm.s32 $0x11880;
	s31 =	simm.s32 $0x1;
	[dreg:$0x10] =	wrdreg s7  }
0x11: {  	s1 =	ssub.s32 $0x2, s1;
	s6 =	smul.u32 $0x48, s4;
	[dreg:$0x11] =	wrdreg s8  }
0x12: {  	s4 =	smul.u32 $0x2400, s4;
	s21 =	sshrl.u32 s1, $0x1;
	[dreg:$0x12] =	wrdreg s25  }
0x13: {  	s1 =	ssub.s32 s1, s21;
	s8 =	simm.s32 $0x3;
	[dreg:$0x13] =	wrdreg s26  }
0x14: {  	s13 =	simm.s32 $0x9880;
	s14 =	simm.s32 $0xA080;
	s15 =	simm.s32 $0xA880  }
0x15: {  	s16 =	simm.s32 $0xB080;
	s17 =	simm.s32 $0xB880;
	s18 =	simm.s32 $0xC080  }
0x16: {  	s19 =	simm.s32 $0xC880;
	s20 =	simm.s32 $0xD080;
	s21 =	simm.s32 $0xD880  }
0x17: {  	s22 =	simm.s32 $0xE080;
	s23 =	simm.s32 $0xE880;
	s24 =	simm.s32 $0xF080  }
0x18: {  	s25 =	simm.s32 $0xF880;
	s26 =	simm.s32 $0x10080;
	s6 =	sshrl.u32 s6, $0x3  }
0x19: {  	s4 =	sadd.s32 s4, s5;
	s7 =	smax.u32 s1, $0x1;
	s1 =	simm.s32 $0x2  }
0x1a: {  	v2 =	vlaneseq.u32;
	s6 =	sadd.s32 s5, s6;
	s4 =	sadd.s32 $0x1800, s4;
	s5 =	sadd.s32 $0x200, s2  }
0x1b: {  	vm0 =	vmmov $0xffff;
	v1 =	vshrl.u32 v2, $0x3;
	s12 =	sadd.s32 $0x1520, s6;
	[dreg:$0x4] =	wrdreg s4;
	s4 =	sadd.s32 $0x100, s2  }
0x1c: {  	v0 =	vand.u32 $0x7, v2;
	v2 =	vor.u32 $0x8, v2;
	v1 =	vmul.u32 $0x8, v1;
	s6 =	sadd.s32 $0x300, s2;
	[dreg:$0x3] =	wrdreg s12;
	s12 =	simm.s32 $0x9080  }
.LBB2_1:
0x1d: {  	s0 =	rddreg [dreg:$0x3]  }
0x1e: {  	[tilespmem:s3], [sflag:$0x3] =	stream.linear.gather [hbm4b:s0+s3], $0x48, $0x38;
	[tilespmem:$0x12080] =	vst v63  }
0x1f: {  	_ =	swait.ge [sflag:s8], $0x48  }
0x20: {  	[sflag:s8] =	ssyncset.done $0x0  }
0x21: {  	[sflag:s8] =	ssyncadd.s32 $0xFFFFFFB8  }
0x22: {  	v3 =	vld [tilespmem:$0x0];
	_ =	sdelay $0x4  }
0x23: {  	v4 =	vshll.u32 v3, $0x3  }
0x24: {  	v3 =	vand.u32 $0x7, v3;
	v4 =	vand.u32 $0xFFFFFFC0, v4  }
0x25: {  	v3 =	vor.u32 v3, v4  }
0x26: {  	v4 =	vperm.xlane v3, v0;
	_ =	sdelay $0x1  }
0x27: {  	v4 =	vadd.s32 v1, v4;
	_ =	sdelay $0x4  }
0x28: {  	[tilespmem:s9], [sflag:$0x1] =	stream.indirect_vreg.gather [hbm4b:s2+s3], $0x80, v4, vm0, $0xb8;
	[tilespmem:$0x12080] =	vst v63  }
0x29: {  	s0 =	rddreg [dreg:$0x5];
	v3 =	vperm.xlane v3, v2  }
0x2a: {  	[tilespmem:s0], [sflag:$0x1] =	stream.indirect_vreg.gather [hbm4b:s4+s3], $0x80, v4, vm0, $0xb8;
	[tilespmem:$0x12080] =	vst v63  }
0x2b: {  	s10 =	rddreg [dreg:$0x6];
	v3 =	vadd.s32 v1, v3  }
0x2c: {  	[tilespmem:s10], [sflag:$0x1] =	stream.indirect_vreg.gather [hbm4b:s5+s3], $0x80, v4, vm0, $0xb8;
	[tilespmem:$0x12080] =	vst v63  }
0x2d: {  	s0 =	rddreg [dreg:$0x7]  }
0x2e: {  	[tilespmem:s0], [sflag:$0x1] =	stream.indirect_vreg.gather [hbm4b:s6+s3], $0x80, v4, vm0, $0xb8;
	[tilespmem:$0x12080] =	vst v63  }
0x2f: {  	s10 =	rddreg [dreg:$0x8]  }
0x30: {  	[tilespmem:s10], [sflag:$0x1] =	stream.indirect_vreg.gather [hbm4b:s2+s3], $0x80, v3, vm0, $0xb8;
	[tilespmem:$0x12080] =	vst v63  }
0x31: {  	s0 =	rddreg [dreg:$0x9]  }
0x32: {  	[tilespmem:s0], [sflag:$0x1] =	stream.indirect_vreg.gather [hbm4b:s4+s3], $0x80, v3, vm0, $0xb8;
	[tilespmem:$0x12080] =	vst v63  }
0x33: {  	s10 =	rddreg [dreg:$0xa]  }
0x34: {  	[tilespmem:s10], [sflag:$0x1] =	stream.indirect_vreg.gather [hbm4b:s5+s3], $0x80, v3, vm0, $0xb8;
	[tilespmem:$0x12080] =	vst v63  }
0x35: {  	s0 =	rddreg [dreg:$0xb]  }
0x36: {  	[tilespmem:s0], [sflag:$0x1] =	stream.indirect_vreg.gather [hbm4b:s6+s3], $0x80, v3, vm0, $0xb8;
	[tilespmem:$0x12080] =	vst v63  }
0x37: {  	v3 =	vld [tilespmem:$0x10];
	_ =	sdelay $0x4  }
0x38: {  	v60 =	vshll.u32 v3, $0x3  }
0x39: {  	v3 =	vand.u32 $0x7, v3;
	v4 =	vand.u32 $0xFFFFFFC0, v60  }
0x3a: {  	v3 =	vor.u32 v3, v4  }
0x3b: {  	v4 =	vperm.xlane v3, v0;
	_ =	sdelay $0x1  }
0x3c: {  	v4 =	vadd.s32 v1, v4;
	_ =	sdelay $0x3  }
0x3d: {  	s0 =	rddreg [dreg:$0xc]  }
0x3e: {  	[tilespmem:s0], [sflag:$0x1] =	stream.indirect_vreg.gather [hbm4b:s2+s3], $0x80, v4, vm0, $0xb8;
	[tilespmem:$0x12080] =	vst v63  }
0x3f: {  	s10 =	rddreg [dreg:$0xd];
	v3 =	vperm.xlane v3, v2  }
0x40: {  	[tilespmem:s10], [sflag:$0x1] =	stream.indirect_vreg.gather [hbm4b:s4+s3], $0x80, v4, vm0, $0xb8;
	[tilespmem:$0x12080] =	vst v63  }
0x41: {  	v3 =	vadd.s32 v1, v3;
	s0 =	rddreg [dreg:$0xe]  }
0x42: {  	[tilespmem:s0], [sflag:$0x1] =	stream.indirect_vreg.gather [hbm4b:s5+s3], $0x80, v4, vm0, $0xb8;
	[tilespmem:$0x12080] =	vst v63  }
0x43: {  	s10 =	rddreg [dreg:$0xf]  }
0x44: {  	[tilespmem:s10], [sflag:$0x1] =	stream.indirect_vreg.gather [hbm4b:s6+s3], $0x80, v4, vm0, $0xb8;
	[tilespmem:$0x12080] =	vst v63  }
0x45: {  	s0 =	rddreg [dreg:$0x10]  }
0x46: {  	[tilespmem:s0], [sflag:$0x1] =	stream.indirect_vreg.gather [hbm4b:s2+s3], $0x80, v3, vm0, $0xb8;
	[tilespmem:$0x12080] =	vst v63  }
0x47: {  	s10 =	rddreg [dreg:$0x11]  }
0x48: {  	[tilespmem:s10], [sflag:$0x1] =	stream.indirect_vreg.gather [hbm4b:s4+s3], $0x80, v3, vm0, $0xb8;
	[tilespmem:$0x12080] =	vst v63  }
0x49: {  	s0 =	rddreg [dreg:$0x12]  }
0x4a: {  	[tilespmem:s0], [sflag:$0x1] =	stream.indirect_vreg.gather [hbm4b:s5+s3], $0x80, v3, vm0, $0xb8;
	[tilespmem:$0x12080] =	vst v63  }
0x4b: {  	s10 =	rddreg [dreg:$0x13]  }
0x4c: {  	[tilespmem:s10], [sflag:$0x1] =	stream.indirect_vreg.gather [hbm4b:s6+s3], $0x80, v3, vm0, $0xb8;
	[tilespmem:$0x12080] =	vst v63  }
0x4d: {  	v3 =	vld [tilespmem:$0x20];
	_ =	sdelay $0x4  }
0x4e: {  	v61 =	vshll.u32 v3, $0x3  }
0x4f: {  	v3 =	vand.u32 $0x7, v3;
	v4 =	vand.u32 $0xFFFFFFC0, v61  }
0x50: {  	v3 =	vor.u32 v3, v4  }
0x51: {  	v4 =	vperm.xlane v3, v0;
	_ =	sdelay $0x1  }
0x52: {  	v4 =	vadd.s32 v1, v4;
	_ =	sdelay $0x3  }
0x53: {  	s10 =	simm.s32 $0x8080  }
0x54: {  	[tilespmem:s10], [sflag:$0x1] =	stream.indirect_vreg.gather [hbm4b:s2+s3], $0x80, v4, vm0, $0xb8;
	[tilespmem:$0x12080] =	vst v63  }
0x55: {  	v3 =	vperm.xlane v3, v2  }
0x56: {  	[tilespmem:s11], [sflag:$0x1] =	stream.indirect_vreg.gather [hbm4b:s4+s3], $0x80, v4, vm0, $0xb8;
	[tilespmem:$0x12080] =	vst v63  }
0x57: {  	v3 =	vadd.s32 v1, v3  }
0x58: {  	[tilespmem:s12], [sflag:$0x1] =	stream.indirect_vreg.gather [hbm4b:s5+s3], $0x80, v4, vm0, $0xb8;
	[tilespmem:$0x12080] =	vst v63  }
0x59: {  	_ = 	snop  }
0x5a: {  	[tilespmem:s13], [sflag:$0x1] =	stream.indirect_vreg.gather [hbm4b:s6+s3], $0x80, v4, vm0, $0xb8;
	[tilespmem:$0x12080] =	vst v63  }
0x5b: {  	_ = 	snop  }
0x5c: {  	[tilespmem:s14], [sflag:$0x1] =	stream.indirect_vreg.gather [hbm4b:s2+s3], $0x80, v3, vm0, $0xb8;
	[tilespmem:$0x12080] =	vst v63  }
0x5d: {  	_ = 	snop  }
0x5e: {  	[tilespmem:s15], [sflag:$0x1] =	stream.indirect_vreg.gather [hbm4b:s4+s3], $0x80, v3, vm0, $0xb8;
	[tilespmem:$0x12080] =	vst v63  }
0x5f: {  	_ = 	snop  }
0x60: {  	[tilespmem:s16], [sflag:$0x1] =	stream.indirect_vreg.gather [hbm4b:s5+s3], $0x80, v3, vm0, $0xb8;
	[tilespmem:$0x12080] =	vst v63  }
0x61: {  	_ = 	snop  }
0x62: {  	[tilespmem:s17], [sflag:$0x1] =	stream.indirect_vreg.gather [hbm4b:s6+s3], $0x80, v3, vm0, $0xb8;
	[tilespmem:$0x12080] =	vst v63  }
0x63: {  	v3 =	vld [tilespmem:$0x30];
	_ =	sdelay $0x4  }
0x64: {  	v62 =	vshll.u32 v3, $0x3  }
0x65: {  	v3 =	vand.u32 $0x7, v3;
	v4 =	vand.u32 $0xFFFFFFC0, v62  }
0x66: {  	v3 =	vor.u32 v3, v4  }
0x67: {  	v4 =	vperm.xlane v3, v0;
	_ =	sdelay $0x1  }
0x68: {  	v4 =	vadd.s32 v1, v4;
	_ =	sdelay $0x4  }
0x69: {  	[tilespmem:s18], [sflag:$0x1] =	stream.indirect_vreg.gather [hbm4b:s2+s3], $0x80, v4, vm0, $0xb8;
	[tilespmem:$0x12080] =	vst v63  }
0x6a: {  	v3 =	vperm.xlane v3, v2  }
0x6b: {  	[tilespmem:s19], [sflag:$0x1] =	stream.indirect_vreg.gather [hbm4b:s4+s3], $0x80, v4, vm0, $0xb8;
	[tilespmem:$0x12080] =	vst v63  }
0x6c: {  	v3 =	vadd.s32 v1, v3  }
0x6d: {  	[tilespmem:s20], [sflag:$0x1] =	stream.indirect_vreg.gather [hbm4b:s5+s3], $0x80, v4, vm0, $0xb8;
	[tilespmem:$0x12080] =	vst v63  }
0x6e: {  	_ = 	snop  }
0x6f: {  	[tilespmem:s21], [sflag:$0x1] =	stream.indirect_vreg.gather [hbm4b:s6+s3], $0x80, v4, vm0, $0xb8;
	[tilespmem:$0x12080] =	vst v63  }
0x70: {  	_ = 	snop  }
0x71: {  	[tilespmem:s22], [sflag:$0x1] =	stream.indirect_vreg.gather [hbm4b:s2+s3], $0x80, v3, vm0, $0xb8;
	[tilespmem:$0x12080] =	vst v63  }
0x72: {  	_ = 	snop  }
0x73: {  	[tilespmem:s23], [sflag:$0x1] =	stream.indirect_vreg.gather [hbm4b:s4+s3], $0x80, v3, vm0, $0xb8;
	[tilespmem:$0x12080] =	vst v63  }
0x74: {  	_ = 	snop  }
0x75: {  	[tilespmem:s24], [sflag:$0x1] =	stream.indirect_vreg.gather [hbm4b:s5+s3], $0x80, v3, vm0, $0xb8;
	[tilespmem:$0x12080] =	vst v63  }
0x76: {  	_ = 	snop  }
0x77: {  	[tilespmem:s25], [sflag:$0x1] =	stream.indirect_vreg.gather [hbm4b:s6+s3], $0x80, v3, vm0, $0xb8;
	[tilespmem:$0x12080] =	vst v63  }
0x78: {  	v3 =	vld.msk [tilespmem:$0x40], $0xff;
	_ =	sdelay $0x4  }
0x79: {  	v63 =	vshll.u32 v3, $0x3  }
0x7a: {  	v3 =	vand.u32 $0x7, v3;
	v4 =	vand.u32 $0xFFFFFFC0, v63  }
0x7b: {  	v3 =	vor.u32 v3, v4  }
0x7c: {  	v3 =	vperm.xlane v3, v0;
	_ =	sdelay $0x1  }
0x7d: {  	v3 =	vadd.s32 v1, v3;
	_ =	sdelay $0x4  }
0x7e: {  	[tilespmem:s26], [sflag:$0x1] =	stream.indirect_vreg.gather [hbm4b:s2+s3], $0x80, v3, vm0, $0xb8;
	[tilespmem:$0x12080] =	vst v63  }
0x7f: {  	_ = 	snop  }
0x80: {  	[tilespmem:s28], [sflag:$0x1] =	stream.indirect_vreg.gather [hbm4b:s4+s3], $0x80, v3, vm0, $0xb8;
	[tilespmem:$0x12080] =	vst v63  }
0x81: {  	_ = 	snop  }
0x82: {  	[tilespmem:s29], [sflag:$0x1] =	stream.indirect_vreg.gather [hbm4b:s5+s3], $0x80, v3, vm0, $0xb8;
	[tilespmem:$0x12080] =	vst v63  }
0x83: {  	_ = 	snop  }
0x84: {  	[tilespmem:s30], [sflag:$0x1] =	stream.indirect_vreg.gather [hbm4b:s6+s3], $0x80, v3, vm0, $0xb8;
	[tilespmem:$0x12080] =	vst v63  }
0x85: {  	_ =	swait.ge [sflag:s31], $0x12000  }
0x86: {  	p0 =	sne.s32 s7, $0x1;
	[sflag:s31] =	ssyncset.done $0x0  }
.Ltmp0:
0x87: {  	s10 =	rddreg [dreg:$0x4];
	[sflag:s31] =	ssyncadd.s32 $0xFFFEE000;
	(pc) =	sbr.rel @p0 .LBB2_1-.Ltmp0, $4  }
0x88: {  	[hbm4b:s10+s3] =	stream.linear.scatter [tilespmem:s9], [sflag:$0x2], $0x12000, $0x38;
	[tilespmem:$0x12080] =	vst v63  }
0x89: {  	_ =	swait.ge [sflag:s1], $0x12000  }
0x8a: {  	[sflag:s1] =	ssyncset.done $0x0  }
0x8b: {  	s7 =	sadd.s32 $0xFFFFFFFF, s7;
	[sflag:s1] =	ssyncadd.s32 $0xFFFEE000  }
0x8c: {  	_ =	sfence.sel $0x180000  }
0x8d: {  	[bflag:$0x0] =	sbarrier.arrive $0xFFFF  }
0x8e: {  	_ =	strace $0x90000047  }
0x8f: {  	s0 =	stileid.u32;
	[bflag:$0x2] =	sbarrier.arrive $0xFFFF  }
0x90: {  	p0 =	sne.s32 s0, $0x0;
	s0 =	rddreg [dreg:$0x2]  }
0x91: {  	s0 =	sadd.s32 @!p0 $0x100000, s0  }
0x92: {  	[sflag:s0] =	ssyncadd.tile.s32 @!p0 $0x1;
	_ =	shalt  }
.Lfunc_end2:
_tile_overlayer_lowered:
.L_overlay_start_2:
0x93: {  	(tag) =	ssettag $0x2  }
0x94: {  	s0 =	rddreg [dreg:$0x0];
	s2 =	stileid.u32  }
0x95: {  	s1 =	rddreg [dreg:$0x1];
	p0 =	sne.s32 s2, $0x0  }
0x96: {  	s3 =	rddreg [dreg:$0x2];
	[bflag:$0x3] =	sbarrier.arrive $0xFFFF;
	s2 =	simm.s32 @!p0 $0x1C03  }
0x97: {  	[timem:s3], [sflag:s2] =	dma.local @!p0 [hbm:s0], s1  }
0x98: {  	s0 =	simm.s32 @!p0 $0x3  }
0x99: {  	_ =	swait.ge @!p0 [sflag:s0], s1  }
0x9a: {  	s1 =	ssub.s32 @!p0 $0x0, s1;
	[sflag:s0] =	ssyncset.done @!p0 $0x0  }
0x9b: {  	[sflag:s0] =	ssyncadd.s32 @!p0 s1  }
0x9c: {  	[bflag:$0x3] =	sbarrier.arrive $0xFFFF  }
0x9d: {  	_ =	shalt  }

// kernel: kernel.7.cloned.1.call-start
scs
__scs_entry_jumppad:
0x0: {  	(pc) =	sbr.rel $0x88, $3  }
0x1: {  	(tag) =	ssettag $0x0;
	lr =	simm.s32 $0x1  }
0x2: {  	[smem:$0x3F9A] =	sst lr;
	_ =	strace $0xD0000000  }
0x3: {  	_ = 	snop  }
0x4: {  	_ = 	snop  }
0x5: {  	_ = 	snop  }
0x6: {  	_ = 	snop  }
0x7: {  	_ = 	snop  }
__scs_overlays_trampoline_lowered:
0x8: {  	[smem:$0x3FA9] =	sst s0  }
0x9: {  	[smem:$0x3FAA] =	sst s1  }
0xa: {  	[smem:$0x3FAB] =	sst s2  }
0xb: {  	[smem:$0x3FAC] =	sst s3  }
0xc: {  	[smem:$0x3FAD] =	sst s4  }
0xd: {  	[smem:$0x3FAE] =	sst s5  }
0xe: {  	[smem:$0x3FAF] =	sst s6  }
0xf: {  	[smem:$0x3FB0] =	sst s7  }
0x10: {  	[smem:$0x3FB1] =	sst s8  }
0x11: {  	[smem:$0x3FB2] =	sst s9;
	s0 =	simm.s32 @!p0 $0x0  }
0x12: {  	s1 =	sld [smem:$0x3F98];
	s0 =	simm.s32 @p0 $0x1  }
0x13: {  	[smem:$0x3FB3] =	sst s0;
	s0 =	simm.s32 @!p1 $0x0  }
0x14: {  	s2 =	sld [smem:$0x3F97];
	s0 =	simm.s32 @p1 $0x1  }
0x15: {  	[smem:$0x3FB4] =	sst s0;
	s0 =	simm.s32 @!p2 $0x0  }
0x16: {  	s3 =	sld [smem:$0x3FDB];
	s0 =	simm.s32 @p2 $0x1  }
0x17: {  	s4 =	simm.s32 $0x1BF5;
	[smem:$0x3FB6] =	sst s0  }
0x18: {  	s0 =	sld [smem:$0x3F99];
	_ =	swait.ge [sflag:s4], $0x0  }
0x19: {  	s7 =	sld [smem:$0x3F9A]  }
0x1a: {  	s8 =	sadd.s32 $0xFFFFE003, lr  }
0x1b: {  	s9 =	sadd.s32 $0xFFFFFEF7, lr;
	s5 =	simm.s32 $0xFFFFFFFF;
	p2 =	slt.u32 s8, $0xFFFFF086  }
0x1c: {  	p1 =	slt.u32 s9, $0xF7A;
	s5 =	simm.s32 @!p2 $0x0  }
0x1d: {  	s5 =	simm.s32 @p1 $0x1;
	p0 =	seq.s32 s7, s2  }
0x1e: {  	s7 =	smul.u32 @!p0 $0xF7A, s2;
	p2 =	seq.s32 @!p0 s5, $0x0  }
0x1f: {  	s9 =	smul.u32 $0xF7A, s1;
	s8 =	simm.s32 @!p0 $0x1BF5;
	p2 =	por !p2, p0  }
0x20: {  	[sflag:s8] =	ssyncset.s32 @!p0 $0xFFFFF086;
	s6 =	sadd.s32 @!p0 s3, s7;
	s7 =	simm.s32 @!p0 $0x108  }
0x21: {  	s3 =	sadd.s32 s3, s9;
	s6 =	sadd.s32 @!p0 $0x88, s6;
	s7 =	simm.s32 @p2 $0x1082  }
0x22: {  	[simem:s7], [sflag:s8] =	dma.local @!p0 [hbm:s6], $0xF7A  }
0x23: {  	s9 =	sor.u32 $0xD0000000, s2;
	s6 =	simm.s32 $0x108;
	_ =	swait.ge @!p0 [sflag:s8], $0x0  }
0x24: {  	s3 =	sadd.s32 $0x88, s3;
	s6 =	simm.s32 @!p1 $0x1082;
	[sflag:s4] =	ssyncset.s32 $0xFFFFF086  }
0x25: {  	[simem:s6], [sflag:s4] =	dma.local [hbm:s3], $0xF7A  }
0x26: {  	[smem:$0x3F9A] =	sst s1;
	(tag) =	ssettag s2;
	_ =	strace s9  }
0x27: {  	s1 =	sld [smem:$0x3FAA]  }
0x28: {  	s2 =	sld [smem:$0x3FAB]  }
0x29: {  	s4 =	sld [smem:$0x3FAD]  }
0x2a: {  	p0 =	seq.s32 s5, $0x0;
	s5 =	sld [smem:$0x3FAE]  }
0x2b: {  	s6 =	sld [smem:$0x3FAF]  }
0x2c: {  	s7 =	sld [smem:$0x3FB0]  }
0x2d: {  	s3 =	simm.s32 $0x108;
	s8 =	sld [smem:$0x3FB1]  }
0x2e: {  	s3 =	simm.s32 @!p0 $0x1082;
	s9 =	sld [smem:$0x3FB2]  }
0x2f: {  	lr =	sadd.s32 s0, s3;
	s0 =	sld [smem:$0x3FA9]  }
0x30: {  	s3 =	sld [smem:$0x3FAC]  }
0x31: {  	[smem:$0x3FB5] =	sst s10  }
0x32: {  	s10 =	sld [smem:$0x3FB3];
	_ =	sdelay $0x3  }
0x33: {  	p0 =	seq.s32 s10, $0x1;
	s10 =	sld [smem:$0x3FB5];
	_ =	sdelay $0x3  }
0x34: {  	[smem:$0x3FB5] =	sst s10  }
0x35: {  	s10 =	sld [smem:$0x3FB4];
	_ =	sdelay $0x3  }
0x36: {  	p1 =	seq.s32 s10, $0x1;
	s10 =	sld [smem:$0x3FB5];
	_ =	sdelay $0x3  }
0x37: {  	[smem:$0x3FB5] =	sst s10  }
0x38: {  	s10 =	sld [smem:$0x3FB6]  }
0x39: {  	_ = 	snop;
	(pc) =	sbr.ind lr, $3  }
0x3a: {  	_ = 	snop  }
0x3b: {  	_ = 	snop  }
0x3c: {  	p2 =	seq.s32 s10, $0x1;
	s10 =	sld [smem:$0x3FB5]  }
0x3d: {  	_ =	shalt  }
0x3e: {  	_ =	shalt  }
0x3f: {  	_ =	shalt  }
0x40: {  	_ =	shalt  }
0x41: {  	_ =	shalt  }
0x42: {  	_ =	shalt  }
0x43: {  	_ =	shalt  }
0x44: {  	_ =	shalt  }
0x45: {  	_ =	shalt  }
0x46: {  	_ =	shalt  }
0x47: {  	_ =	shalt  }
0x48: {  	_ =	shalt  }
0x49: {  	_ =	shalt  }
0x4a: {  	_ =	shalt  }
0x4b: {  	_ =	shalt  }
0x4c: {  	_ =	shalt  }
0x4d: {  	_ =	shalt  }
0x4e: {  	_ =	shalt  }
0x4f: {  	_ =	shalt  }
0x50: {  	_ =	shalt  }
0x51: {  	_ =	shalt  }
0x52: {  	_ =	shalt  }
0x53: {  	_ =	shalt  }
0x54: {  	_ =	shalt  }
0x55: {  	_ =	shalt  }
0x56: {  	_ =	shalt  }
0x57: {  	_ =	shalt  }
0x58: {  	_ =	shalt  }
0x59: {  	_ =	shalt  }
0x5a: {  	_ =	shalt  }
0x5b: {  	_ =	shalt  }
0x5c: {  	_ =	shalt  }
0x5d: {  	_ =	shalt  }
0x5e: {  	_ =	shalt  }
0x5f: {  	_ =	shalt  }
0x60: {  	_ =	shalt  }
0x61: {  	_ =	shalt  }
0x62: {  	_ =	shalt  }
0x63: {  	_ =	shalt  }
0x64: {  	_ =	shalt  }
0x65: {  	_ =	shalt  }
0x66: {  	_ =	shalt  }
0x67: {  	_ =	shalt  }
0x68: {  	_ =	shalt  }
0x69: {  	_ =	shalt  }
0x6a: {  	_ =	shalt  }
0x6b: {  	_ =	shalt  }
0x6c: {  	_ =	shalt  }
0x6d: {  	_ =	shalt  }
0x6e: {  	_ =	shalt  }
0x6f: {  	_ =	shalt  }
0x70: {  	_ =	shalt  }
0x71: {  	_ =	shalt  }
0x72: {  	_ =	shalt  }
0x73: {  	_ =	shalt  }
0x74: {  	_ =	shalt  }
0x75: {  	_ =	shalt  }
0x76: {  	_ =	shalt  }
0x77: {  	_ =	shalt  }
0x78: {  	_ =	shalt  }
0x79: {  	_ =	shalt  }
0x7a: {  	_ =	shalt  }
0x7b: {  	_ =	shalt  }
0x7c: {  	_ =	shalt  }
0x7d: {  	_ =	shalt  }
0x7e: {  	_ =	shalt  }
0x7f: {  	_ =	shalt  }
0x80: {  	_ =	shalt  }
0x81: {  	_ =	shalt  }
0x82: {  	_ =	shalt  }
0x83: {  	_ =	shalt  }
0x84: {  	_ =	shalt  }
0x85: {  	_ =	shalt  }
0x86: {  	_ =	shalt  }
0x87: {  	_ =	shalt  }
.Lfunc_end0:
.L_simem_size_0:
called_computation_lowered:
.L_overlay_start_0:
0x88: {  	s2 =	sld [smem:$0x3FD9]  }
0x89: {  	s3 =	sld [smem:$0x3FFE];
	_ =	sdelay $0x1  }
0x8a: {  	s1 =	srdreg.scid  }
0x8b: {  	s0 =	sand.u32 $0x1, s1  }
0x8c: {  	s17 =	sshll.u32 s0, $0xA;
	s2 =	sadd.s32 s3, s2  }
0x8d: {  	s2 =	sadd.s32 s2, s17  }
0x8e: {  	[smem:$0x3FC1] =	sst s2  }
0x8f: {  	_ = 	snop  }
0x90: {  	s18 =	sld [smem:$0x3FC9];
	(tm) =	ssettm $0x1  }
0x91: {  	s19 =	sld [smem:$0x3FFB];
	_ =	sdelay $0x3  }
0x92: {  	_ =	strace s19  }
0x93: {  	s2 =	sld [smem:$0x3FFC];
	_ =	sdelay $0x3  }
0x94: {  	_ =	strace s2  }
0x95: {  	s2 =	sld [smem:$0x3FFD];
	_ =	sdelay $0x3  }
0x96: {  	_ =	strace s2  }
0x97: {  	_ =	strace $0x8FFFFFFF  }
0x98: {  	s20 =	sld [smem:$0x3FDB];
	_ =	sdelay $0x1  }
0x99: {  	s4 =	simm.s32 $_scs_section_size  }
0x9a: {  	s5 =	simm.s32 $_size__tile_overlayer_lowered;
	s6 =	simm.s32 $_tile_overlayer_lowered  }
0x9b: {  	s7 =	simm.s32 $0x1BFF;
	s21 =	sshll.u32 s6, $0x1;
	s4 =	sadd.s32 s4, s20  }
0x9c: {  	s22 =	simm.s32 $0x0;
	s5 =	sshll.u32 s5, $0x1;
	s6 =	sadd.s32 s21, s4  }
0x9d: {  	[timem:s22], [sflag:s7] =	dma.local [hbm:s6], s5  }
0x9e: {  	_ =	swait.ge [sflag:s7], s5  }
0x9f: {  	s5 =	ssub.s32 $0x0, s5;
	[sflag:s7] =	ssyncset.done $0x0  }
0xa0: {  	[sflag:s7] =	ssyncadd.s32 s5;
	_ =	sdelay $0x1  }
0xa1: {  	s23 =	simm.s32 $0x1B8B  }
0xa2: {  	_ =	swait.ge [sflag:s23], $0x1  }
0xa3: {  	[sflag:s23] =	ssyncset.done $0x0  }
0xa4: {  	[sflag:s23] =	ssyncadd.s32 $0xFFFFFFFF  }
0xa5: {  	s5 =	sld [smem:$0x0]  }
0xa6: {  	s6 =	sand.u32 $0xFFFFFFFE, s1  }
0xa7: {  	p0 =	sne.s32 s1, s6  }
0xa8: {  	s6 =	sshll.u32 @p0 s6, $0xE  }
0xa9: {  	s6 =	sadd.s32 @p0 $0x11B8D, s6;
	s7 =	sshll.u32 @p0 s5, $0x11  }
0xaa: {  	s6 =	sor.u32 @p0 s7, s6  }
0xab: {  	[sflag:s6] =	ssyncadd.remote.s32 @p0 $0x1;
	_ =	sdelay $0x1  }
0xac: {  	s6 =	simm.s32 @p0 $0x1B8D  }
0xad: {  	_ =	swait.eq @p0 [sflag:s6], $0x1  }
0xae: {  	[sflag:s6] =	ssyncadd.s32 @p0 $0xFFFFFFFF  }
0xaf: {  	s7 =	sshll.u32 @!p0 s1, $0xE  }
0xb0: {  	s7 =	sor.u32 @!p0 $0x4000, s7;
	s6 =	simm.s32 @!p0 $0x1B8D  }
0xb1: {  	s5 =	sshll.u32 @!p0 s5, $0x11;
	s7 =	sadd.s32 @!p0 $0x11B8D, s7;
	_ =	swait.eq @!p0 [sflag:s6], $0x1  }
0xb2: {  	s5 =	sor.u32 @!p0 s5, s7;
	[sflag:s6] =	ssyncadd.s32 @!p0 $0xFFFFFFFF  }
0xb3: {  	s25 =	simm.s32 $0x1B8E;
	s24 =	sld [smem:$0x3FFE];
	[sflag:s5] =	ssyncadd.remote.s32 @!p0 $0x1  }
0xb4: {  	s26 =	simm.s32 $execute0_lowered;
	[smem:$0x3FD2] =	sst s25  }
0xb5: {  	s6 =	sshll.u32 s26, $0x1;
	_ =	strace $0x80000049;
	[dreg:$0x1] =	wrdreg $0xFFFFFFFF  }
0xb6: {  	s28 =	simm.s32 $_size_execute0_lowered;
	s4 =	sadd.s32 s4, s6;
	[dreg:$0x0] =	wrdreg $0x0  }
0xb7: {  	s6 =	sshll.u32 s28, $0x1;
	[dreg:$0x2] =	wrdreg s4  }
0xb8: {  	[dreg:$0x3] =	wrdreg s6  }
0xb9: {  	[dreg:$0x4] =	wrdreg $0xC0  }
0xba: {  	_ =	task [dreg:s22], $0x5FFFF  }
0xbb: {  	[dreg:$0x1] =	wrdreg $0xFFFFFFFF  }
0xbc: {  	[dreg:$0x0] =	wrdreg $0x60  }
0xbd: {  	[dreg:$0x2] =	wrdreg s18  }
0xbe: {  	[dreg:$0x3] =	wrdreg s24  }
0xbf: {  	[dreg:$0x4] =	wrdreg $0x9  }
0xc0: {  	_ =	task.clear_ibuf [dreg:s22], $0x5FFFF;
	_ =	strace $0x90000049  }
0xc1: {  	s29 =	simm.s32 $0x9;
	_ =	strace $0x8000004B  }
0xc2: {  	_ =	swait.ge [sflag:s29], $0x1  }
0xc3: {  	[sflag:s29] =	ssyncadd.s32 $0xFFFFFFFF  }
0xc4: {  	_ =	strace $0x9000004B  }
0xc5: {  	_ =	sfence  }
0xc6: {  	s30 =	sld [smem:$0x0];
	_ =	sdelay $0x2  }
0xc7: {  	s31 =	sshll.u32 s1, $0xD;
	s1 =	sshrl.u32 s1, $0x2  }
0xc8: {  	s4 =	sand.u32 $0x4000, s31;
	s1 =	sadd.s32 s1, s30  }
0xc9: {  	s0 =	sor.u32 s4, s0;
	s1 =	sshll.u32 s1, $0x11  }
0xca: {  	s0 =	sor.u32 s1, s0  }
0xcb: {  	s0 =	sadd.s32 $0x8F2B, s0  }
0xcc: {  	[sflag:s0] =	ssyncadd.remote.s32 $0x1  }
0xcd: {  	_ =	sfence.sel $0xFFFF  }
0xce: {  	[dreg:$0x0] =	wrdreg $0xFFFFFFFF;
	(pc) =	sbr.abs _section_cstart, $3  }
0xcf: {  	[dreg:$0x1] =	wrdreg $0xFFFFFFFF  }
0xd0: {  	_ =	task.clear_ibuf [dreg:s22], $0x2FFFF;
	_ =	strace $0x9FFFFFFF  }
0xd1: {  	(tm) =	ssettm $0x7FFFFFFF  }
tec
execute0_lowered:
.L_overlay_start_1:
0x0: {  	(tag) =	ssettag $0x1  }
0x1: {  	s1 =	srdreg.scid;
	s0 =	stileid.u32  }
0x2: {  	s2 =	rddreg [dreg:$0x0];
	s1 =	sand.u32 $0x1, s1;
	s3 =	sshll.u32 s0, $0x1  }
0x3: {  	s5 =	rddreg [dreg:$0x1];
	s4 =	sor.u32 s1, s3;
	s3 =	simm.s32 $0x0  }
0x4: {  	s13 =	simm.s32 $0x880;
	[smem:$0x7FF] =	sst s3  }
0x5: {  	s14 =	simm.s32 $0x1080;
	_ =	strace $0x8000004A;
	[dreg:$0x5] =	wrdreg s13  }
0x6: {  	s15 =	simm.s32 $0x1880;
	[dreg:$0x6] =	wrdreg s14  }
0x7: {  	s16 =	simm.s32 $0x2080;
	s17 =	simm.s32 $0x2880;
	[dreg:$0x7] =	wrdreg s15  }
0x8: {  	s18 =	simm.s32 $0x3080;
	s19 =	simm.s32 $0x3880;
	[dreg:$0x8] =	wrdreg s16  }
0x9: {  	s20 =	simm.s32 $0x4080;
	s22 =	simm.s32 $0x4880;
	[dreg:$0x9] =	wrdreg s17  }
0xa: {  	s23 =	simm.s32 $0x5080;
	s24 =	simm.s32 $0x5880;
	[dreg:$0xa] =	wrdreg s18  }
0xb: {  	s7 =	simm.s32 $0x6080;
	s8 =	simm.s32 $0x6880;
	[dreg:$0xb] =	wrdreg s19  }
0xc: {  	s25 =	simm.s32 $0x7080;
	s26 =	simm.s32 $0x7880;
	[dreg:$0xc] =	wrdreg s20  }
0xd: {  	s9 =	simm.s32 $0x80;
	s11 =	simm.s32 $0x8880;
	[dreg:$0xd] =	wrdreg s22  }
0xe: {  	s28 =	simm.s32 $0x10880;
	s29 =	simm.s32 $0x11080;
	[dreg:$0xe] =	wrdreg s23  }
0xf: {  	s30 =	simm.s32 $0x11880;
	s31 =	simm.s32 $0x1;
	[dreg:$0xf] =	wrdreg s24  }
0x10: {  	s1 =	ssub.s32 $0x2, s1;
	s6 =	smul.u32 $0x9, s4;
	[dreg:$0x10] =	wrdreg s7  }
0x11: {  	s4 =	smul.u32 $0x2400, s4;
	s21 =	sshrl.u32 s1, $0x1;
	[dreg:$0x11] =	wrdreg s8  }
0x12: {  	s1 =	ssub.s32 s1, s21;
	s8 =	simm.s32 $0x3;
	[dreg:$0x12] =	wrdreg s25  }
0x13: {  	[dreg:$0x13] =	wrdreg s26;
	s13 =	simm.s32 $0x9880;
	s14 =	simm.s32 $0xA080  }
0x14: {  	s15 =	simm.s32 $0xA880;
	s16 =	simm.s32 $0xB080;
	s17 =	simm.s32 $0xB880  }
0x15: {  	s18 =	simm.s32 $0xC080;
	s19 =	simm.s32 $0xC880;
	s20 =	simm.s32 $0xD080  }
0x16: {  	s21 =	simm.s32 $0xD880;
	s22 =	simm.s32 $0xE080;
	s23 =	simm.s32 $0xE880  }
0x17: {  	s24 =	simm.s32 $0xF080;
	s25 =	simm.s32 $0xF880;
	s26 =	simm.s32 $0x10080  }
0x18: {  	s6 =	sadd.s32 s6, s5;
	s4 =	sadd.s32 s4, s5;
	s5 =	sadd.s32 $0x200, s2  }
0x19: {  	v2 =	vlaneseq.u32;
	s7 =	smax.u32 s1, $0x1;
	s1 =	simm.s32 $0x2;
	s12 =	sadd.s32 $0x1400, s6  }
0x1a: {  	vm0 =	vmmov $0xffff;
	v1 =	vshrl.u32 v2, $0x3;
	s4 =	sadd.s32 $0x49800, s4;
	s6 =	sadd.s32 $0x300, s2;
	[dreg:$0x3] =	wrdreg s12  }
0x1b: {  	v0 =	vand.u32 $0x7, v2;
	v2 =	vor.u32 $0x8, v2;
	v1 =	vmul.u32 $0x8, v1;
	[dreg:$0x4] =	wrdreg s4;
	s4 =	sadd.s32 $0x100, s2;
	s12 =	simm.s32 $0x9080  }
.LBB2_1:
0x1c: {  	s0 =	rddreg [dreg:$0x3]  }
0x1d: {  	[tilespmem:s3], [sflag:$0x3] =	stream.linear.gather [hbm4b:s0+s3], $0x48, $0x38;
	[tilespmem:$0x12080] =	vst v63  }
0x1e: {  	_ =	swait.ge [sflag:s8], $0x48  }
0x1f: {  	[sflag:s8] =	ssyncset.done $0x0  }
0x20: {  	[sflag:s8] =	ssyncadd.s32 $0xFFFFFFB8  }
0x21: {  	v3 =	vld [tilespmem:$0x0];
	_ =	sdelay $0x4  }
0x22: {  	v4 =	vshll.u32 v3, $0x3  }
0x23: {  	v3 =	vand.u32 $0x7, v3;
	v4 =	vand.u32 $0xFFFFFFC0, v4  }
0x24: {  	v3 =	vor.u32 v3, v4  }
0x25: {  	v4 =	vperm.xlane v3, v0;
	_ =	sdelay $0x1  }
0x26: {  	v4 =	vadd.s32 v1, v4;
	_ =	sdelay $0x4  }
0x27: {  	[tilespmem:s9], [sflag:$0x1] =	stream.indirect_vreg.gather [hbm4b:s2+s3], $0x80, v4, vm0, $0xb8;
	[tilespmem:$0x12080] =	vst v63  }
0x28: {  	s0 =	rddreg [dreg:$0x5];
	v3 =	vperm.xlane v3, v2  }
0x29: {  	[tilespmem:s0], [sflag:$0x1] =	stream.indirect_vreg.gather [hbm4b:s4+s3], $0x80, v4, vm0, $0xb8;
	[tilespmem:$0x12080] =	vst v63  }
0x2a: {  	s10 =	rddreg [dreg:$0x6];
	v3 =	vadd.s32 v1, v3  }
0x2b: {  	[tilespmem:s10], [sflag:$0x1] =	stream.indirect_vreg.gather [hbm4b:s5+s3], $0x80, v4, vm0, $0xb8;
	[tilespmem:$0x12080] =	vst v63  }
0x2c: {  	s0 =	rddreg [dreg:$0x7]  }
0x2d: {  	[tilespmem:s0], [sflag:$0x1] =	stream.indirect_vreg.gather [hbm4b:s6+s3], $0x80, v4, vm0, $0xb8;
	[tilespmem:$0x12080] =	vst v63  }
0x2e: {  	s10 =	rddreg [dreg:$0x8]  }
0x2f: {  	[tilespmem:s10], [sflag:$0x1] =	stream.indirect_vreg.gather [hbm4b:s2+s3], $0x80, v3, vm0, $0xb8;
	[tilespmem:$0x12080] =	vst v63  }
0x30: {  	s0 =	rddreg [dreg:$0x9]  }
0x31: {  	[tilespmem:s0], [sflag:$0x1] =	stream.indirect_vreg.gather [hbm4b:s4+s3], $0x80, v3, vm0, $0xb8;
	[tilespmem:$0x12080] =	vst v63  }
0x32: {  	s10 =	rddreg [dreg:$0xa]  }
0x33: {  	[tilespmem:s10], [sflag:$0x1] =	stream.indirect_vreg.gather [hbm4b:s5+s3], $0x80, v3, vm0, $0xb8;
	[tilespmem:$0x12080] =	vst v63  }
0x34: {  	s0 =	rddreg [dreg:$0xb]  }
0x35: {  	[tilespmem:s0], [sflag:$0x1] =	stream.indirect_vreg.gather [hbm4b:s6+s3], $0x80, v3, vm0, $0xb8;
	[tilespmem:$0x12080] =	vst v63  }
0x36: {  	v3 =	vld [tilespmem:$0x10];
	_ =	sdelay $0x4  }
0x37: {  	v60 =	vshll.u32 v3, $0x3  }
0x38: {  	v3 =	vand.u32 $0x7, v3;
	v4 =	vand.u32 $0xFFFFFFC0, v60  }
0x39: {  	v3 =	vor.u32 v3, v4  }
0x3a: {  	v4 =	vperm.xlane v3, v0;
	_ =	sdelay $0x1  }
0x3b: {  	v4 =	vadd.s32 v1, v4;
	_ =	sdelay $0x3  }
0x3c: {  	s0 =	rddreg [dreg:$0xc]  }
0x3d: {  	[tilespmem:s0], [sflag:$0x1] =	stream.indirect_vreg.gather [hbm4b:s2+s3], $0x80, v4, vm0, $0xb8;
	[tilespmem:$0x12080] =	vst v63  }
0x3e: {  	s10 =	rddreg [dreg:$0xd];
	v3 =	vperm.xlane v3, v2  }
0x3f: {  	[tilespmem:s10], [sflag:$0x1] =	stream.indirect_vreg.gather [hbm4b:s4+s3], $0x80, v4, vm0, $0xb8;
	[tilespmem:$0x12080] =	vst v63  }
0x40: {  	v3 =	vadd.s32 v1, v3;
	s0 =	rddreg [dreg:$0xe]  }
0x41: {  	[tilespmem:s0], [sflag:$0x1] =	stream.indirect_vreg.gather [hbm4b:s5+s3], $0x80, v4, vm0, $0xb8;
	[tilespmem:$0x12080] =	vst v63  }
0x42: {  	s10 =	rddreg [dreg:$0xf]  }
0x43: {  	[tilespmem:s10], [sflag:$0x1] =	stream.indirect_vreg.gather [hbm4b:s6+s3], $0x80, v4, vm0, $0xb8;
	[tilespmem:$0x12080] =	vst v63  }
0x44: {  	s0 =	rddreg [dreg:$0x10]  }
0x45: {  	[tilespmem:s0], [sflag:$0x1] =	stream.indirect_vreg.gather [hbm4b:s2+s3], $0x80, v3, vm0, $0xb8;
	[tilespmem:$0x12080] =	vst v63  }
0x46: {  	s10 =	rddreg [dreg:$0x11]  }
0x47: {  	[tilespmem:s10], [sflag:$0x1] =	stream.indirect_vreg.gather [hbm4b:s4+s3], $0x80, v3, vm0, $0xb8;
	[tilespmem:$0x12080] =	vst v63  }
0x48: {  	s0 =	rddreg [dreg:$0x12]  }
0x49: {  	[tilespmem:s0], [sflag:$0x1] =	stream.indirect_vreg.gather [hbm4b:s5+s3], $0x80, v3, vm0, $0xb8;
	[tilespmem:$0x12080] =	vst v63  }
0x4a: {  	s10 =	rddreg [dreg:$0x13]  }
0x4b: {  	[tilespmem:s10], [sflag:$0x1] =	stream.indirect_vreg.gather [hbm4b:s6+s3], $0x80, v3, vm0, $0xb8;
	[tilespmem:$0x12080] =	vst v63  }
0x4c: {  	v3 =	vld [tilespmem:$0x20];
	_ =	sdelay $0x4  }
0x4d: {  	v61 =	vshll.u32 v3, $0x3  }
0x4e: {  	v3 =	vand.u32 $0x7, v3;
	v4 =	vand.u32 $0xFFFFFFC0, v61  }
0x4f: {  	v3 =	vor.u32 v3, v4  }
0x50: {  	v4 =	vperm.xlane v3, v0;
	_ =	sdelay $0x1  }
0x51: {  	v4 =	vadd.s32 v1, v4;
	_ =	sdelay $0x3  }
0x52: {  	s10 =	simm.s32 $0x8080  }
0x53: {  	[tilespmem:s10], [sflag:$0x1] =	stream.indirect_vreg.gather [hbm4b:s2+s3], $0x80, v4, vm0, $0xb8;
	[tilespmem:$0x12080] =	vst v63  }
0x54: {  	v3 =	vperm.xlane v3, v2  }
0x55: {  	[tilespmem:s11], [sflag:$0x1] =	stream.indirect_vreg.gather [hbm4b:s4+s3], $0x80, v4, vm0, $0xb8;
	[tilespmem:$0x12080] =	vst v63  }
0x56: {  	v3 =	vadd.s32 v1, v3  }
0x57: {  	[tilespmem:s12], [sflag:$0x1] =	stream.indirect_vreg.gather [hbm4b:s5+s3], $0x80, v4, vm0, $0xb8;
	[tilespmem:$0x12080] =	vst v63  }
0x58: {  	_ = 	snop  }
0x59: {  	[tilespmem:s13], [sflag:$0x1] =	stream.indirect_vreg.gather [hbm4b:s6+s3], $0x80, v4, vm0, $0xb8;
	[tilespmem:$0x12080] =	vst v63  }
0x5a: {  	_ = 	snop  }
0x5b: {  	[tilespmem:s14], [sflag:$0x1] =	stream.indirect_vreg.gather [hbm4b:s2+s3], $0x80, v3, vm0, $0xb8;
	[tilespmem:$0x12080] =	vst v63  }
0x5c: {  	_ = 	snop  }
0x5d: {  	[tilespmem:s15], [sflag:$0x1] =	stream.indirect_vreg.gather [hbm4b:s4+s3], $0x80, v3, vm0, $0xb8;
	[tilespmem:$0x12080] =	vst v63  }
0x5e: {  	_ = 	snop  }
0x5f: {  	[tilespmem:s16], [sflag:$0x1] =	stream.indirect_vreg.gather [hbm4b:s5+s3], $0x80, v3, vm0, $0xb8;
	[tilespmem:$0x12080] =	vst v63  }
0x60: {  	_ = 	snop  }
0x61: {  	[tilespmem:s17], [sflag:$0x1] =	stream.indirect_vreg.gather [hbm4b:s6+s3], $0x80, v3, vm0, $0xb8;
	[tilespmem:$0x12080] =	vst v63  }
0x62: {  	v3 =	vld [tilespmem:$0x30];
	_ =	sdelay $0x4  }
0x63: {  	v62 =	vshll.u32 v3, $0x3  }
0x64: {  	v3 =	vand.u32 $0x7, v3;
	v4 =	vand.u32 $0xFFFFFFC0, v62  }
0x65: {  	v3 =	vor.u32 v3, v4  }
0x66: {  	v4 =	vperm.xlane v3, v0;
	_ =	sdelay $0x1  }
0x67: {  	v4 =	vadd.s32 v1, v4;
	_ =	sdelay $0x4  }
0x68: {  	[tilespmem:s18], [sflag:$0x1] =	stream.indirect_vreg.gather [hbm4b:s2+s3], $0x80, v4, vm0, $0xb8;
	[tilespmem:$0x12080] =	vst v63  }
0x69: {  	v3 =	vperm.xlane v3, v2  }
0x6a: {  	[tilespmem:s19], [sflag:$0x1] =	stream.indirect_vreg.gather [hbm4b:s4+s3], $0x80, v4, vm0, $0xb8;
	[tilespmem:$0x12080] =	vst v63  }
0x6b: {  	v3 =	vadd.s32 v1, v3  }
0x6c: {  	[tilespmem:s20], [sflag:$0x1] =	stream.indirect_vreg.gather [hbm4b:s5+s3], $0x80, v4, vm0, $0xb8;
	[tilespmem:$0x12080] =	vst v63  }
0x6d: {  	_ = 	snop  }
0x6e: {  	[tilespmem:s21], [sflag:$0x1] =	stream.indirect_vreg.gather [hbm4b:s6+s3], $0x80, v4, vm0, $0xb8;
	[tilespmem:$0x12080] =	vst v63  }
0x6f: {  	_ = 	snop  }
0x70: {  	[tilespmem:s22], [sflag:$0x1] =	stream.indirect_vreg.gather [hbm4b:s2+s3], $0x80, v3, vm0, $0xb8;
	[tilespmem:$0x12080] =	vst v63  }
0x71: {  	_ = 	snop  }
0x72: {  	[tilespmem:s23], [sflag:$0x1] =	stream.indirect_vreg.gather [hbm4b:s4+s3], $0x80, v3, vm0, $0xb8;
	[tilespmem:$0x12080] =	vst v63  }
0x73: {  	_ = 	snop  }
0x74: {  	[tilespmem:s24], [sflag:$0x1] =	stream.indirect_vreg.gather [hbm4b:s5+s3], $0x80, v3, vm0, $0xb8;
	[tilespmem:$0x12080] =	vst v63  }
0x75: {  	_ = 	snop  }
0x76: {  	[tilespmem:s25], [sflag:$0x1] =	stream.indirect_vreg.gather [hbm4b:s6+s3], $0x80, v3, vm0, $0xb8;
	[tilespmem:$0x12080] =	vst v63  }
0x77: {  	v3 =	vld.msk [tilespmem:$0x40], $0xff;
	_ =	sdelay $0x4  }
0x78: {  	v63 =	vshll.u32 v3, $0x3  }
0x79: {  	v3 =	vand.u32 $0x7, v3;
	v4 =	vand.u32 $0xFFFFFFC0, v63  }
0x7a: {  	v3 =	vor.u32 v3, v4  }
0x7b: {  	v3 =	vperm.xlane v3, v0;
	_ =	sdelay $0x1  }
0x7c: {  	v3 =	vadd.s32 v1, v3;
	_ =	sdelay $0x4  }
0x7d: {  	[tilespmem:s26], [sflag:$0x1] =	stream.indirect_vreg.gather [hbm4b:s2+s3], $0x80, v3, vm0, $0xb8;
	[tilespmem:$0x12080] =	vst v63  }
0x7e: {  	_ = 	snop  }
0x7f: {  	[tilespmem:s28], [sflag:$0x1] =	stream.indirect_vreg.gather [hbm4b:s4+s3], $0x80, v3, vm0, $0xb8;
	[tilespmem:$0x12080] =	vst v63  }
0x80: {  	_ = 	snop  }
0x81: {  	[tilespmem:s29], [sflag:$0x1] =	stream.indirect_vreg.gather [hbm4b:s5+s3], $0x80, v3, vm0, $0xb8;
	[tilespmem:$0x12080] =	vst v63  }
0x82: {  	_ = 	snop  }
0x83: {  	[tilespmem:s30], [sflag:$0x1] =	stream.indirect_vreg.gather [hbm4b:s6+s3], $0x80, v3, vm0, $0xb8;
	[tilespmem:$0x12080] =	vst v63  }
0x84: {  	_ =	swait.ge [sflag:s31], $0x12000  }
0x85: {  	p0 =	sne.s32 s7, $0x1;
	[sflag:s31] =	ssyncset.done $0x0  }
.Ltmp0:
0x86: {  	s10 =	rddreg [dreg:$0x4];
	[sflag:s31] =	ssyncadd.s32 $0xFFFEE000;
	(pc) =	sbr.rel @p0 .LBB2_1-.Ltmp0, $4  }
0x87: {  	[hbm4b:s10+s3] =	stream.linear.scatter [tilespmem:s9], [sflag:$0x2], $0x12000, $0x38;
	[tilespmem:$0x12080] =	vst v63  }
0x88: {  	_ =	swait.ge [sflag:s1], $0x12000  }
0x89: {  	[sflag:s1] =	ssyncset.done $0x0  }
0x8a: {  	s7 =	sadd.s32 $0xFFFFFFFF, s7;
	[sflag:s1] =	ssyncadd.s32 $0xFFFEE000  }
0x8b: {  	_ =	sfence.sel $0x180000  }
0x8c: {  	[bflag:$0x0] =	sbarrier.arrive $0xFFFF  }
0x8d: {  	_ =	strace $0x9000004A  }
0x8e: {  	s0 =	stileid.u32;
	[bflag:$0x2] =	sbarrier.arrive $0xFFFF  }
0x8f: {  	p0 =	sne.s32 s0, $0x0;
	s0 =	rddreg [dreg:$0x2]  }
0x90: {  	s0 =	sadd.s32 @!p0 $0x100000, s0  }
0x91: {  	[sflag:s0] =	ssyncadd.tile.s32 @!p0 $0x1;
	_ =	shalt  }
.Lfunc_end2:
_tile_overlayer_lowered:
.L_overlay_start_2:
0x92: {  	(tag) =	ssettag $0x2  }
0x93: {  	s0 =	rddreg [dreg:$0x0];
	s2 =	stileid.u32  }
0x94: {  	s1 =	rddreg [dreg:$0x1];
	p0 =	sne.s32 s2, $0x0  }
0x95: {  	s3 =	rddreg [dreg:$0x2];
	[bflag:$0x3] =	sbarrier.arrive $0xFFFF;
	s2 =	simm.s32 @!p0 $0x1C03  }
0x96: {  	[timem:s3], [sflag:s2] =	dma.local @!p0 [hbm:s0], s1  }
0x97: {  	s0 =	simm.s32 @!p0 $0x3  }
0x98: {  	_ =	swait.ge @!p0 [sflag:s0], s1  }
0x99: {  	s1 =	ssub.s32 @!p0 $0x0, s1;
	[sflag:s0] =	ssyncset.done @!p0 $0x0  }
0x9a: {  	[sflag:s0] =	ssyncadd.s32 @!p0 s1  }
0x9b: {  	[bflag:$0x3] =	sbarrier.arrive $0xFFFF  }
0x9c: {  	_ =	shalt  }

</sc_bundles>
